<compile_context>
chip_gen: v7x
topology: tpu7x:2x2x1
jax: 0.10.2.dev20260603
libtpu: 0.0.44.dev20260713+nightly
codegen_flags: <defaults>
</compile_context>

<pallas_src>
import functools

import jax
import jax.numpy as jnp
from jax import lax
from jax.experimental import pallas as pl
from jax.experimental.pallas import tpu as pltpu
from jax.experimental.pallas import tpu_sc as plsc

NC = 2
NS = 16
NW = NC * NS
C = 128
D = 64


K = 5


@functools.partial(jax.jit, static_argnums=(2,))
def _gather(embed, idx, n_total):
    n_per_w = n_total // NW
    nch = n_per_w // C
    nhalf = nch // K
    assert nch % K == 0 and nhalf % 2 == 0
    mesh = plsc.VectorSubcoreMesh(core_axis_name="c", subcore_axis_name="s")

    @functools.partial(
        pl.kernel,
        mesh=mesh,
        out_type=jax.ShapeDtypeStruct((n_total, D), jnp.float32),
        scratch_types=[
            pltpu.VMEM((nch, C), jnp.int32),
            pltpu.VMEM((2, K, C, D), jnp.float32),
            pltpu.SemaphoreType.DMA,
            pltpu.SemaphoreType.DMA,
            pltpu.SemaphoreType.DMA,
        ],
        compiler_params=pltpu.CompilerParams(use_tc_tiling_on_sc=False),
    )
    def gather_kernel(table_hbm, idx_hbm, out_hbm, idx_v, rows_v, gsem, ssem0, ssem1):
        sid = lax.axis_index("s")
        wid = sid * NC + lax.axis_index("c")
        base = wid * n_per_w
        ssems = (ssem0, ssem1)
        pltpu.sync_copy(idx_hbm.at[wid], idx_v)

        for b in range(K):
            pltpu.async_copy(table_hbm.at[idx_v.at[b]], rows_v.at[0, b], gsem)

        @pl.loop(0, nhalf, step=2)
        def _half(h0):
            for p in range(2):
                h = h0 + p
                q = 1 - p
                jj = h * K
                for b in range(K):
                    pltpu.make_async_copy(
                        table_hbm.at[idx_v.at[jj + b]], rows_v.at[p, b], gsem
                    ).wait()
                for b in range(K):
                    pltpu.async_copy(
                        rows_v.at[p, b],
                        out_hbm.at[pl.ds(base + (jj + b) * C, C)],
                        ssems[p],
                    )

                @pl.when(h > 0)
                def _():
                    for b in range(K):
                        pltpu.make_async_copy(
                            rows_v.at[q, b], out_hbm.at[pl.ds(base, C)], ssems[q]
                        ).wait()

                @pl.when(h + 1 < nhalf)
                def _():
                    njj = (h + 1) * K
                    for b in range(K):
                        pltpu.async_copy(
                            table_hbm.at[idx_v.at[njj + b]], rows_v.at[q, b], gsem
                        )

        last = (nhalf - 1) % 2
        for b in range(K):
            pltpu.make_async_copy(
                rows_v.at[last, b], out_hbm.at[pl.ds(base, C)], ssems[last]
            ).wait()

    return gather_kernel(embed, idx)


def kernel(x, embed):
    b, h = x.shape
    n_total = b * h
    idx = x.astype(jnp.int32).reshape(NW, n_total // (NW * C), C)
    out = _gather(embed, idx, n_total)
    return out.reshape(b, h, D)

# --- scband reference (transcript-rebuilt; emitter-appended) ---
"""Pipeline reference for scband-model-62045097558211 (READ-ONLY COPY).

The authoritative reference and input builder live on the scoring server;
editing this copy changes nothing except your own understanding.
"""

import jax, jax.numpy as jnp
import numpy as np

N_WORDS = 1000000
LATENT_DIM = 64
INITIAL_SIGMA = 0.1
BATCH = 16384
HIST = 20

def setup_inputs(seed: int = 0) -> dict:
    key = jax.random.key(seed)
    k_idx, k_embed = jax.random.split(key)
    x = jax.random.randint(k_idx, (BATCH, HIST), 0, N_WORDS)
    embed = jax.random.normal(k_embed, (N_WORDS, LATENT_DIM), dtype=jnp.float32) * INITIAL_SIGMA
    return {"x": x, "embed": embed}

def reference(x, embed):
    # Faithful translation: out = self.embed[x]
    return jnp.take(embed, x, axis=0)

if __name__ == "__main__":
    import jax
    _d = setup_inputs()
    print(jax.jit(kernel)(*tuple(_d.values())))

</pallas_src>

<mosaic_0001>
#map = affine_map<(d0, d1) -> (0, 0)>
#map1 = affine_map<(d0, d1) -> (0, 0, 0)>
module attributes {stable_mosaic.version = 14 : i64} {
  func.func @gather_kernel(%arg0: i32, %arg1: i32, %arg2: memref<1000000x64xf32, #tpu.memory_space<hbm>>, %arg3: memref<32x80x128xi32, #tpu.memory_space<hbm>>, %arg4: memref<327680x64xf32, #tpu.memory_space<hbm>>, %arg5: memref<80x128xi32, #tpu.memory_space<vmem>>, %arg6: memref<2x5x128x64xf32, #tpu.memory_space<vmem>>, %arg7: memref<!tpu.dma_semaphore, #tpu.memory_space<semaphore_mem>>, %arg8: memref<!tpu.dma_semaphore, #tpu.memory_space<semaphore_mem>>, %arg9: memref<!tpu.dma_semaphore, #tpu.memory_space<semaphore_mem>>) attributes {dimension_semantics = [#tpu.dimension_semantics<core_parallel>, #tpu.dimension_semantics<subcore_parallel>], iteration_bounds = array<i64: 2, 16>, scalar_prefetch = 0 : i64, scratch_operands = 5 : i64, tpu.core_type = #tpu.core_type<sc_vector_subcore>, window_params = [{transform_indices = #map}, {transform_indices = #map1}, {transform_indices = #map}]} {
    %mul3A = arith.constant 2 : i32
    %mul3A_0 = arith.muli %arg1, %mul3A : i32
    %add3A = arith.addi %mul3A_0, %arg0 : i32
    %mul3A_1 = arith.constant 10240 : i32
    %mul3A_2 = arith.muli %add3A, %mul3A_1 : i32
    "tpu.region"() ({
      %run_scoped3A = tpu.sem_alloc : memref<!tpu.dma_semaphore, #tpu.memory_space<semaphore_mem>>
      %dma_start3A_140 = arith.constant 0 : i32
      %dma_start3A_141 = arith.constant 0 : i32
      %dma_start3A_142 = tpu.memref_slice %arg3[%add3A, %dma_start3A_140, %dma_start3A_141] : memref<32x80x128xi32, #tpu.memory_space<hbm>> -> memref<1x80x128xi32, #tpu.memory_space<hbm>>
      %dma_start3A_143 = tpu.memref_squeeze %dma_start3A_142 : memref<1x80x128xi32, #tpu.memory_space<hbm>> -> memref<80x128xi32, #tpu.memory_space<hbm>>
      %dma_start3A_144 = arith.constant 0 : i32
      %dma_start3A_145 = arith.constant 0 : i32
      %dma_start3A_146 = tpu.memref_slice %arg3[%add3A, %dma_start3A_144, %dma_start3A_145] : memref<32x80x128xi32, #tpu.memory_space<hbm>> -> memref<1x80x128xi32, #tpu.memory_space<hbm>>
      %dma_start3A_147 = tpu.memref_squeeze %dma_start3A_146 : memref<1x80x128xi32, #tpu.memory_space<hbm>> -> memref<80x128xi32, #tpu.memory_space<hbm>>
      tpu.enqueue_dma source(%dma_start3A_147 : memref<80x128xi32, #tpu.memory_space<hbm>>) target(%arg5 : memref<80x128xi32, #tpu.memory_space<vmem>>) target_semaphore(%run_scoped3A : memref<!tpu.dma_semaphore, #tpu.memory_space<semaphore_mem>>)
      %dma_wait3A_148 = arith.constant 0 : i32
      %dma_wait3A_149 = arith.constant 0 : i32
      %dma_wait3A_150 = tpu.memref_slice %arg3[%add3A, %dma_wait3A_148, %dma_wait3A_149] : memref<32x80x128xi32, #tpu.memory_space<hbm>> -> memref<1x80x128xi32, #tpu.memory_space<hbm>>
      %dma_wait3A_151 = tpu.memref_squeeze %dma_wait3A_150 : memref<1x80x128xi32, #tpu.memory_space<hbm>> -> memref<80x128xi32, #tpu.memory_space<hbm>>
      %dma_wait3A_152 = arith.constant 0 : i32
      %dma_wait3A_153 = arith.constant 0 : i32
      %dma_wait3A_154 = tpu.memref_slice %arg3[%add3A, %dma_wait3A_152, %dma_wait3A_153] : memref<32x80x128xi32, #tpu.memory_space<hbm>> -> memref<1x80x128xi32, #tpu.memory_space<hbm>>
      %dma_wait3A_155 = tpu.memref_squeeze %dma_wait3A_154 : memref<1x80x128xi32, #tpu.memory_space<hbm>> -> memref<80x128xi32, #tpu.memory_space<hbm>>
      tpu.wait_dma2 semaphore(%run_scoped3A : memref<!tpu.dma_semaphore, #tpu.memory_space<semaphore_mem>>) src(%dma_wait3A_155 : memref<80x128xi32, #tpu.memory_space<hbm>>) dst(%arg5 : memref<80x128xi32, #tpu.memory_space<vmem>>)
      tpu.yield
    }) : () -> ()
    %dma_start3A = arith.constant 0 : i32
    %dma_start3A_3 = arith.constant 0 : i32
    %dma_start3A_4 = arith.constant 0 : i32
    %dma_start3A_5 = arith.constant 0 : i32
    %dma_start3A_6 = arith.constant 0 : i32
    %dma_start3A_7 = tpu.memref_slice %arg6[%dma_start3A_3, %dma_start3A_4, %dma_start3A_5, %dma_start3A_6] : memref<2x5x128x64xf32, #tpu.memory_space<vmem>> -> memref<1x1x128x64xf32, #tpu.memory_space<vmem>>
    %dma_start3A_8 = tpu.memref_squeeze %dma_start3A_7 : memref<1x1x128x64xf32, #tpu.memory_space<vmem>> -> memref<128x64xf32, #tpu.memory_space<vmem>>
    %dma_start3A_9 = arith.constant 0 : i32
    %dma_start3A_10 = tpu.memref_slice %arg5[%dma_start3A, %dma_start3A_9] : memref<80x128xi32, #tpu.memory_space<vmem>> -> memref<1x128xi32, #tpu.memory_space<vmem>>
    %dma_start3A_11 = tpu.memref_squeeze %dma_start3A_10 : memref<1x128xi32, #tpu.memory_space<vmem>> -> memref<128xi32, #tpu.memory_space<vmem>>
    %dma_start3A_12 = arith.constant 0 : i32
    %dma_start3A_13 = arith.constant 0 : i32
    %dma_start3A_14 = tpu.memref_slice %arg2[%dma_start3A_12, %dma_start3A_13] : memref<1000000x64xf32, #tpu.memory_space<hbm>> -> memref<1000000x64xf32, #tpu.memory_space<hbm>>
    tpu.enqueue_indirect_dma source(%dma_start3A_14 : memref<1000000x64xf32, #tpu.memory_space<hbm>>) target(%dma_start3A_8 : memref<128x64xf32, #tpu.memory_space<vmem>>) offsets(%dma_start3A_11 : memref<128xi32, #tpu.memory_space<vmem>>) semaphore(%arg7 : memref<!tpu.dma_semaphore, #tpu.memory_space<semaphore_mem>>)
    %dma_start3A_15 = arith.constant 1 : i32
    %dma_start3A_16 = arith.constant 0 : i32
    %dma_start3A_17 = arith.constant 1 : i32
    %dma_start3A_18 = arith.constant 0 : i32
    %dma_start3A_19 = arith.constant 0 : i32
    %dma_start3A_20 = tpu.memref_slice %arg6[%dma_start3A_16, %dma_start3A_17, %dma_start3A_18, %dma_start3A_19] : memref<2x5x128x64xf32, #tpu.memory_space<vmem>> -> memref<1x1x128x64xf32, #tpu.memory_space<vmem>>
    %dma_start3A_21 = tpu.memref_squeeze %dma_start3A_20 : memref<1x1x128x64xf32, #tpu.memory_space<vmem>> -> memref<128x64xf32, #tpu.memory_space<vmem>>
    %dma_start3A_22 = arith.constant 0 : i32
    %dma_start3A_23 = tpu.memref_slice %arg5[%dma_start3A_15, %dma_start3A_22] : memref<80x128xi32, #tpu.memory_space<vmem>> -> memref<1x128xi32, #tpu.memory_space<vmem>>
    %dma_start3A_24 = tpu.memref_squeeze %dma_start3A_23 : memref<1x128xi32, #tpu.memory_space<vmem>> -> memref<128xi32, #tpu.memory_space<vmem>>
    %dma_start3A_25 = arith.constant 0 : i32
    %dma_start3A_26 = arith.constant 0 : i32
    %dma_start3A_27 = tpu.memref_slice %arg2[%dma_start3A_25, %dma_start3A_26] : memref<1000000x64xf32, #tpu.memory_space<hbm>> -> memref<1000000x64xf32, #tpu.memory_space<hbm>>
    tpu.enqueue_indirect_dma source(%dma_start3A_27 : memref<1000000x64xf32, #tpu.memory_space<hbm>>) target(%dma_start3A_21 : memref<128x64xf32, #tpu.memory_space<vmem>>) offsets(%dma_start3A_24 : memref<128xi32, #tpu.memory_space<vmem>>) semaphore(%arg7 : memref<!tpu.dma_semaphore, #tpu.memory_space<semaphore_mem>>)
    %dma_start3A_28 = arith.constant 2 : i32
    %dma_start3A_29 = arith.constant 0 : i32
    %dma_start3A_30 = arith.constant 2 : i32
    %dma_start3A_31 = arith.constant 0 : i32
    %dma_start3A_32 = arith.constant 0 : i32
    %dma_start3A_33 = tpu.memref_slice %arg6[%dma_start3A_29, %dma_start3A_30, %dma_start3A_31, %dma_start3A_32] : memref<2x5x128x64xf32, #tpu.memory_space<vmem>> -> memref<1x1x128x64xf32, #tpu.memory_space<vmem>>
    %dma_start3A_34 = tpu.memref_squeeze %dma_start3A_33 : memref<1x1x128x64xf32, #tpu.memory_space<vmem>> -> memref<128x64xf32, #tpu.memory_space<vmem>>
    %dma_start3A_35 = arith.constant 0 : i32
    %dma_start3A_36 = tpu.memref_slice %arg5[%dma_start3A_28, %dma_start3A_35] : memref<80x128xi32, #tpu.memory_space<vmem>> -> memref<1x128xi32, #tpu.memory_space<vmem>>
    %dma_start3A_37 = tpu.memref_squeeze %dma_start3A_36 : memref<1x128xi32, #tpu.memory_space<vmem>> -> memref<128xi32, #tpu.memory_space<vmem>>
    %dma_start3A_38 = arith.constant 0 : i32
    %dma_start3A_39 = arith.constant 0 : i32
    %dma_start3A_40 = tpu.memref_slice %arg2[%dma_start3A_38, %dma_start3A_39] : memref<1000000x64xf32, #tpu.memory_space<hbm>> -> memref<1000000x64xf32, #tpu.memory_space<hbm>>
    tpu.enqueue_indirect_dma source(%dma_start3A_40 : memref<1000000x64xf32, #tpu.memory_space<hbm>>) target(%dma_start3A_34 : memref<128x64xf32, #tpu.memory_space<vmem>>) offsets(%dma_start3A_37 : memref<128xi32, #tpu.memory_space<vmem>>) semaphore(%arg7 : memref<!tpu.dma_semaphore, #tpu.memory_space<semaphore_mem>>)
    %dma_start3A_41 = arith.constant 3 : i32
    %dma_start3A_42 = arith.constant 0 : i32
    %dma_start3A_43 = arith.constant 3 : i32
    %dma_start3A_44 = arith.constant 0 : i32
    %dma_start3A_45 = arith.constant 0 : i32
    %dma_start3A_46 = tpu.memref_slice %arg6[%dma_start3A_42, %dma_start3A_43, %dma_start3A_44, %dma_start3A_45] : memref<2x5x128x64xf32, #tpu.memory_space<vmem>> -> memref<1x1x128x64xf32, #tpu.memory_space<vmem>>
    %dma_start3A_47 = tpu.memref_squeeze %dma_start3A_46 : memref<1x1x128x64xf32, #tpu.memory_space<vmem>> -> memref<128x64xf32, #tpu.memory_space<vmem>>
    %dma_start3A_48 = arith.constant 0 : i32
    %dma_start3A_49 = tpu.memref_slice %arg5[%dma_start3A_41, %dma_start3A_48] : memref<80x128xi32, #tpu.memory_space<vmem>> -> memref<1x128xi32, #tpu.memory_space<vmem>>
    %dma_start3A_50 = tpu.memref_squeeze %dma_start3A_49 : memref<1x128xi32, #tpu.memory_space<vmem>> -> memref<128xi32, #tpu.memory_space<vmem>>
    %dma_start3A_51 = arith.constant 0 : i32
    %dma_start3A_52 = arith.constant 0 : i32
    %dma_start3A_53 = tpu.memref_slice %arg2[%dma_start3A_51, %dma_start3A_52] : memref<1000000x64xf32, #tpu.memory_space<hbm>> -> memref<1000000x64xf32, #tpu.memory_space<hbm>>
    tpu.enqueue_indirect_dma source(%dma_start3A_53 : memref<1000000x64xf32, #tpu.memory_space<hbm>>) target(%dma_start3A_47 : memref<128x64xf32, #tpu.memory_space<vmem>>) offsets(%dma_start3A_50 : memref<128xi32, #tpu.memory_space<vmem>>) semaphore(%arg7 : memref<!tpu.dma_semaphore, #tpu.memory_space<semaphore_mem>>)
    %dma_start3A_54 = arith.constant 4 : i32
    %dma_start3A_55 = arith.constant 0 : i32
    %dma_start3A_56 = arith.constant 4 : i32
    %dma_start3A_57 = arith.constant 0 : i32
    %dma_start3A_58 = arith.constant 0 : i32
    %dma_start3A_59 = tpu.memref_slice %arg6[%dma_start3A_55, %dma_start3A_56, %dma_start3A_57, %dma_start3A_58] : memref<2x5x128x64xf32, #tpu.memory_space<vmem>> -> memref<1x1x128x64xf32, #tpu.memory_space<vmem>>
    %dma_start3A_60 = tpu.memref_squeeze %dma_start3A_59 : memref<1x1x128x64xf32, #tpu.memory_space<vmem>> -> memref<128x64xf32, #tpu.memory_space<vmem>>
    %dma_start3A_61 = arith.constant 0 : i32
    %dma_start3A_62 = tpu.memref_slice %arg5[%dma_start3A_54, %dma_start3A_61] : memref<80x128xi32, #tpu.memory_space<vmem>> -> memref<1x128xi32, #tpu.memory_space<vmem>>
    %dma_start3A_63 = tpu.memref_squeeze %dma_start3A_62 : memref<1x128xi32, #tpu.memory_space<vmem>> -> memref<128xi32, #tpu.memory_space<vmem>>
    %dma_start3A_64 = arith.constant 0 : i32
    %dma_start3A_65 = arith.constant 0 : i32
    %dma_start3A_66 = tpu.memref_slice %arg2[%dma_start3A_64, %dma_start3A_65] : memref<1000000x64xf32, #tpu.memory_space<hbm>> -> memref<1000000x64xf32, #tpu.memory_space<hbm>>
    tpu.enqueue_indirect_dma source(%dma_start3A_66 : memref<1000000x64xf32, #tpu.memory_space<hbm>>) target(%dma_start3A_60 : memref<128x64xf32, #tpu.memory_space<vmem>>) offsets(%dma_start3A_63 : memref<128xi32, #tpu.memory_space<vmem>>) semaphore(%arg7 : memref<!tpu.dma_semaphore, #tpu.memory_space<semaphore_mem>>)
    %scan3A = arith.constant 0 : i32
    %scan3A_67 = arith.constant 8 : i32
    %scan3A_68 = arith.addi %scan3A, %scan3A_67 : i32
    %scan3A_69 = arith.constant 1 : i32
    scf.for %scan3A_140 = %scan3A to %scan3A_68 step %scan3A_69  : i32 {
      %mul3A_141 = arith.constant 2 : i32
      %mul3A_142 = arith.muli %scan3A_140, %mul3A_141 : i32
      %add3A_143 = arith.constant 0 : i32
      %add3A_144 = arith.addi %add3A_143, %mul3A_142 : i32
      %add3A_145 = arith.constant 0 : i32
      %add3A_146 = arith.addi %add3A_144, %add3A_145 : i32
      %mul3A_147 = arith.constant 5 : i32
      %mul3A_148 = arith.muli %add3A_146, %mul3A_147 : i32
      %add3A_149 = arith.constant 0 : i32
      %add3A_150 = arith.addi %mul3A_148, %add3A_149 : i32
      %dma_wait3A_151 = arith.constant 0 : i32
      %dma_wait3A_152 = arith.constant 0 : i32
      %dma_wait3A_153 = arith.constant 0 : i32
      %dma_wait3A_154 = arith.constant 0 : i32
      %dma_wait3A_155 = tpu.memref_slice %arg6[%dma_wait3A_151, %dma_wait3A_152, %dma_wait3A_153, %dma_wait3A_154] : memref<2x5x128x64xf32, #tpu.memory_space<vmem>> -> memref<1x1x128x64xf32, #tpu.memory_space<vmem>>
      %dma_wait3A_156 = tpu.memref_squeeze %dma_wait3A_155 : memref<1x1x128x64xf32, #tpu.memory_space<vmem>> -> memref<128x64xf32, #tpu.memory_space<vmem>>
      %dma_wait3A_157 = arith.constant 0 : i32
      %dma_wait3A_158 = tpu.memref_slice %arg5[%add3A_150, %dma_wait3A_157] : memref<80x128xi32, #tpu.memory_space<vmem>> -> memref<1x128xi32, #tpu.memory_space<vmem>>
      %dma_wait3A_159 = tpu.memref_squeeze %dma_wait3A_158 : memref<1x128xi32, #tpu.memory_space<vmem>> -> memref<128xi32, #tpu.memory_space<vmem>>
      %dma_wait3A_160 = arith.constant 0 : i32
      %dma_wait3A_161 = arith.constant 0 : i32
      %dma_wait3A_162 = tpu.memref_slice %arg2[%dma_wait3A_160, %dma_wait3A_161] : memref<1000000x64xf32, #tpu.memory_space<hbm>> -> memref<1000000x64xf32, #tpu.memory_space<hbm>>
      tpu.wait_indirect_dma semaphore(%arg7 : memref<!tpu.dma_semaphore, #tpu.memory_space<semaphore_mem>>) src(%dma_wait3A_162 : memref<1000000x64xf32, #tpu.memory_space<hbm>>) dst(%dma_wait3A_156 : memref<128x64xf32, #tpu.memory_space<vmem>>)
      %add3A_163 = arith.constant 1 : i32
      %add3A_164 = arith.addi %mul3A_148, %add3A_163 : i32
      %dma_wait3A_165 = arith.constant 0 : i32
      %dma_wait3A_166 = arith.constant 1 : i32
      %dma_wait3A_167 = arith.constant 0 : i32
      %dma_wait3A_168 = arith.constant 0 : i32
      %dma_wait3A_169 = tpu.memref_slice %arg6[%dma_wait3A_165, %dma_wait3A_166, %dma_wait3A_167, %dma_wait3A_168] : memref<2x5x128x64xf32, #tpu.memory_space<vmem>> -> memref<1x1x128x64xf32, #tpu.memory_space<vmem>>
      %dma_wait3A_170 = tpu.memref_squeeze %dma_wait3A_169 : memref<1x1x128x64xf32, #tpu.memory_space<vmem>> -> memref<128x64xf32, #tpu.memory_space<vmem>>
      %dma_wait3A_171 = arith.constant 0 : i32
      %dma_wait3A_172 = tpu.memref_slice %arg5[%add3A_164, %dma_wait3A_171] : memref<80x128xi32, #tpu.memory_space<vmem>> -> memref<1x128xi32, #tpu.memory_space<vmem>>
      %dma_wait3A_173 = tpu.memref_squeeze %dma_wait3A_172 : memref<1x128xi32, #tpu.memory_space<vmem>> -> memref<128xi32, #tpu.memory_space<vmem>>
      %dma_wait3A_174 = arith.constant 0 : i32
      %dma_wait3A_175 = arith.constant 0 : i32
      %dma_wait3A_176 = tpu.memref_slice %arg2[%dma_wait3A_174, %dma_wait3A_175] : memref<1000000x64xf32, #tpu.memory_space<hbm>> -> memref<1000000x64xf32, #tpu.memory_space<hbm>>
      tpu.wait_indirect_dma semaphore(%arg7 : memref<!tpu.dma_semaphore, #tpu.memory_space<semaphore_mem>>) src(%dma_wait3A_176 : memref<1000000x64xf32, #tpu.memory_space<hbm>>) dst(%dma_wait3A_170 : memref<128x64xf32, #tpu.memory_space<vmem>>)
      %add3A_177 = arith.constant 2 : i32
      %add3A_178 = arith.addi %mul3A_148, %add3A_177 : i32
      %dma_wait3A_179 = arith.constant 0 : i32
      %dma_wait3A_180 = arith.constant 2 : i32
      %dma_wait3A_181 = arith.constant 0 : i32
      %dma_wait3A_182 = arith.constant 0 : i32
      %dma_wait3A_183 = tpu.memref_slice %arg6[%dma_wait3A_179, %dma_wait3A_180, %dma_wait3A_181, %dma_wait3A_182] : memref<2x5x128x64xf32, #tpu.memory_space<vmem>> -> memref<1x1x128x64xf32, #tpu.memory_space<vmem>>
      %dma_wait3A_184 = tpu.memref_squeeze %dma_wait3A_183 : memref<1x1x128x64xf32, #tpu.memory_space<vmem>> -> memref<128x64xf32, #tpu.memory_space<vmem>>
      %dma_wait3A_185 = arith.constant 0 : i32
      %dma_wait3A_186 = tpu.memref_slice %arg5[%add3A_178, %dma_wait3A_185] : memref<80x128xi32, #tpu.memory_space<vmem>> -> memref<1x128xi32, #tpu.memory_space<vmem>>
      %dma_wait3A_187 = tpu.memref_squeeze %dma_wait3A_186 : memref<1x128xi32, #tpu.memory_space<vmem>> -> memref<128xi32, #tpu.memory_space<vmem>>
      %dma_wait3A_188 = arith.constant 0 : i32
      %dma_wait3A_189 = arith.constant 0 : i32
      %dma_wait3A_190 = tpu.memref_slice %arg2[%dma_wait3A_188, %dma_wait3A_189] : memref<1000000x64xf32, #tpu.memory_space<hbm>> -> memref<1000000x64xf32, #tpu.memory_space<hbm>>
      tpu.wait_indirect_dma semaphore(%arg7 : memref<!tpu.dma_semaphore, #tpu.memory_space<semaphore_mem>>) src(%dma_wait3A_190 : memref<1000000x64xf32, #tpu.memory_space<hbm>>) dst(%dma_wait3A_184 : memref<128x64xf32, #tpu.memory_space<vmem>>)
      %add3A_191 = arith.constant 3 : i32
      %add3A_192 = arith.addi %mul3A_148, %add3A_191 : i32
      %dma_wait3A_193 = arith.constant 0 : i32
      %dma_wait3A_194 = arith.constant 3 : i32
      %dma_wait3A_195 = arith.constant 0 : i32
      %dma_wait3A_196 = arith.constant 0 : i32
      %dma_wait3A_197 = tpu.memref_slice %arg6[%dma_wait3A_193, %dma_wait3A_194, %dma_wait3A_195, %dma_wait3A_196] : memref<2x5x128x64xf32, #tpu.memory_space<vmem>> -> memref<1x1x128x64xf32, #tpu.memory_space<vmem>>
      %dma_wait3A_198 = tpu.memref_squeeze %dma_wait3A_197 : memref<1x1x128x64xf32, #tpu.memory_space<vmem>> -> memref<128x64xf32, #tpu.memory_space<vmem>>
      %dma_wait3A_199 = arith.constant 0 : i32
      %dma_wait3A_200 = tpu.memref_slice %arg5[%add3A_192, %dma_wait3A_199] : memref<80x128xi32, #tpu.memory_space<vmem>> -> memref<1x128xi32, #tpu.memory_space<vmem>>
      %dma_wait3A_201 = tpu.memref_squeeze %dma_wait3A_200 : memref<1x128xi32, #tpu.memory_space<vmem>> -> memref<128xi32, #tpu.memory_space<vmem>>
      %dma_wait3A_202 = arith.constant 0 : i32
      %dma_wait3A_203 = arith.constant 0 : i32
      %dma_wait3A_204 = tpu.memref_slice %arg2[%dma_wait3A_202, %dma_wait3A_203] : memref<1000000x64xf32, #tpu.memory_space<hbm>> -> memref<1000000x64xf32, #tpu.memory_space<hbm>>
      tpu.wait_indirect_dma semaphore(%arg7 : memref<!tpu.dma_semaphore, #tpu.memory_space<semaphore_mem>>) src(%dma_wait3A_204 : memref<1000000x64xf32, #tpu.memory_space<hbm>>) dst(%dma_wait3A_198 : memref<128x64xf32, #tpu.memory_space<vmem>>)
      %add3A_205 = arith.constant 4 : i32
      %add3A_206 = arith.addi %mul3A_148, %add3A_205 : i32
      %dma_wait3A_207 = arith.constant 0 : i32
      %dma_wait3A_208 = arith.constant 4 : i32
      %dma_wait3A_209 = arith.constant 0 : i32
      %dma_wait3A_210 = arith.constant 0 : i32
      %dma_wait3A_211 = tpu.memref_slice %arg6[%dma_wait3A_207, %dma_wait3A_208, %dma_wait3A_209, %dma_wait3A_210] : memref<2x5x128x64xf32, #tpu.memory_space<vmem>> -> memref<1x1x128x64xf32, #tpu.memory_space<vmem>>
      %dma_wait3A_212 = tpu.memref_squeeze %dma_wait3A_211 : memref<1x1x128x64xf32, #tpu.memory_space<vmem>> -> memref<128x64xf32, #tpu.memory_space<vmem>>
      %dma_wait3A_213 = arith.constant 0 : i32
      %dma_wait3A_214 = tpu.memref_slice %arg5[%add3A_206, %dma_wait3A_213] : memref<80x128xi32, #tpu.memory_space<vmem>> -> memref<1x128xi32, #tpu.memory_space<vmem>>
      %dma_wait3A_215 = tpu.memref_squeeze %dma_wait3A_214 : memref<1x128xi32, #tpu.memory_space<vmem>> -> memref<128xi32, #tpu.memory_space<vmem>>
      %dma_wait3A_216 = arith.constant 0 : i32
      %dma_wait3A_217 = arith.constant 0 : i32
      %dma_wait3A_218 = tpu.memref_slice %arg2[%dma_wait3A_216, %dma_wait3A_217] : memref<1000000x64xf32, #tpu.memory_space<hbm>> -> memref<1000000x64xf32, #tpu.memory_space<hbm>>
      tpu.wait_indirect_dma semaphore(%arg7 : memref<!tpu.dma_semaphore, #tpu.memory_space<semaphore_mem>>) src(%dma_wait3A_218 : memref<1000000x64xf32, #tpu.memory_space<hbm>>) dst(%dma_wait3A_212 : memref<128x64xf32, #tpu.memory_space<vmem>>)
      %add3A_219 = arith.constant 0 : i32
      %add3A_220 = arith.addi %mul3A_148, %add3A_219 : i32
      %mul3A_221 = arith.constant 128 : i32
      %mul3A_222 = arith.muli %add3A_220, %mul3A_221 : i32
      %add3A_223 = arith.addi %mul3A_2, %mul3A_222 : i32
      %dma_start3A_224 = arith.constant 0 : i32
      %dma_start3A_225 = arith.constant 0 : i32
      %dma_start3A_226 = arith.constant 0 : i32
      %dma_start3A_227 = arith.constant 0 : i32
      %dma_start3A_228 = tpu.memref_slice %arg6[%dma_start3A_224, %dma_start3A_225, %dma_start3A_226, %dma_start3A_227] : memref<2x5x128x64xf32, #tpu.memory_space<vmem>> -> memref<1x1x128x64xf32, #tpu.memory_space<vmem>>
      %dma_start3A_229 = tpu.memref_squeeze %dma_start3A_228 : memref<1x1x128x64xf32, #tpu.memory_space<vmem>> -> memref<128x64xf32, #tpu.memory_space<vmem>>
      %dma_start3A_230 = arith.constant 0 : i32
      %dma_start3A_231 = tpu.memref_slice %arg4[%add3A_223, %dma_start3A_230] : memref<327680x64xf32, #tpu.memory_space<hbm>> -> memref<128x64xf32, #tpu.memory_space<hbm>>
      %dma_start3A_232 = arith.constant 0 : i32
      %dma_start3A_233 = tpu.memref_slice %arg4[%add3A_223, %dma_start3A_232] : memref<327680x64xf32, #tpu.memory_space<hbm>> -> memref<128x64xf32, #tpu.memory_space<hbm>>
      %dma_start3A_234 = arith.constant 0 : i32
      %dma_start3A_235 = arith.constant 0 : i32
      %dma_start3A_236 = tpu.memref_slice %arg6[%dma_start3A_224, %dma_start3A_225, %dma_start3A_234, %dma_start3A_235] : memref<2x5x128x64xf32, #tpu.memory_space<vmem>> -> memref<1x1x128x64xf32, #tpu.memory_space<vmem>>
      %dma_start3A_237 = tpu.memref_squeeze %dma_start3A_236 : memref<1x1x128x64xf32, #tpu.memory_space<vmem>> -> memref<128x64xf32, #tpu.memory_space<vmem>>
      tpu.enqueue_dma source(%dma_start3A_237 : memref<128x64xf32, #tpu.memory_space<vmem>>) target(%dma_start3A_233 : memref<128x64xf32, #tpu.memory_space<hbm>>) target_semaphore(%arg8 : memref<!tpu.dma_semaphore, #tpu.memory_space<semaphore_mem>>)
      %add3A_238 = arith.constant 1 : i32
      %add3A_239 = arith.addi %mul3A_148, %add3A_238 : i32
      %mul3A_240 = arith.constant 128 : i32
      %mul3A_241 = arith.muli %add3A_239, %mul3A_240 : i32
      %add3A_242 = arith.addi %mul3A_2, %mul3A_241 : i32
      %dma_start3A_243 = arith.constant 0 : i32
      %dma_start3A_244 = arith.constant 1 : i32
      %dma_start3A_245 = arith.constant 0 : i32
      %dma_start3A_246 = arith.constant 0 : i32
      %dma_start3A_247 = tpu.memref_slice %arg6[%dma_start3A_243, %dma_start3A_244, %dma_start3A_245, %dma_start3A_246] : memref<2x5x128x64xf32, #tpu.memory_space<vmem>> -> memref<1x1x128x64xf32, #tpu.memory_space<vmem>>
      %dma_start3A_248 = tpu.memref_squeeze %dma_start3A_247 : memref<1x1x128x64xf32, #tpu.memory_space<vmem>> -> memref<128x64xf32, #tpu.memory_space<vmem>>
      %dma_start3A_249 = arith.constant 0 : i32
      %dma_start3A_250 = tpu.memref_slice %arg4[%add3A_242, %dma_start3A_249] : memref<327680x64xf32, #tpu.memory_space<hbm>> -> memref<128x64xf32, #tpu.memory_space<hbm>>
      %dma_start3A_251 = arith.constant 0 : i32
      %dma_start3A_252 = tpu.memref_slice %arg4[%add3A_242, %dma_start3A_251] : memref<327680x64xf32, #tpu.memory_space<hbm>> -> memref<128x64xf32, #tpu.memory_space<hbm>>
      %dma_start3A_253 = arith.constant 0 : i32
      %dma_start3A_254 = arith.constant 0 : i32
      %dma_start3A_255 = tpu.memref_slice %arg6[%dma_start3A_243, %dma_start3A_244, %dma_start3A_253, %dma_start3A_254] : memref<2x5x128x64xf32, #tpu.memory_space<vmem>> -> memref<1x1x128x64xf32, #tpu.memory_space<vmem>>
      %dma_start3A_256 = tpu.memref_squeeze %dma_start3A_255 : memref<1x1x128x64xf32, #tpu.memory_space<vmem>> -> memref<128x64xf32, #tpu.memory_space<vmem>>
      tpu.enqueue_dma source(%dma_start3A_256 : memref<128x64xf32, #tpu.memory_space<vmem>>) target(%dma_start3A_252 : memref<128x64xf32, #tpu.memory_space<hbm>>) target_semaphore(%arg8 : memref<!tpu.dma_semaphore, #tpu.memory_space<semaphore_mem>>)
      %add3A_257 = arith.constant 2 : i32
      %add3A_258 = arith.addi %mul3A_148, %add3A_257 : i32
      %mul3A_259 = arith.constant 128 : i32
      %mul3A_260 = arith.muli %add3A_258, %mul3A_259 : i32
      %add3A_261 = arith.addi %mul3A_2, %mul3A_260 : i32
      %dma_start3A_262 = arith.constant 0 : i32
      %dma_start3A_263 = arith.constant 2 : i32
      %dma_start3A_264 = arith.constant 0 : i32
      %dma_start3A_265 = arith.constant 0 : i32
      %dma_start3A_266 = tpu.memref_slice %arg6[%dma_start3A_262, %dma_start3A_263, %dma_start3A_264, %dma_start3A_265] : memref<2x5x128x64xf32, #tpu.memory_space<vmem>> -> memref<1x1x128x64xf32, #tpu.memory_space<vmem>>
      %dma_start3A_267 = tpu.memref_squeeze %dma_start3A_266 : memref<1x1x128x64xf32, #tpu.memory_space<vmem>> -> memref<128x64xf32, #tpu.memory_space<vmem>>
      %dma_start3A_268 = arith.constant 0 : i32
      %dma_start3A_269 = tpu.memref_slice %arg4[%add3A_261, %dma_start3A_268] : memref<327680x64xf32, #tpu.memory_space<hbm>> -> memref<128x64xf32, #tpu.memory_space<hbm>>
      %dma_start3A_270 = arith.constant 0 : i32
      %dma_start3A_271 = tpu.memref_slice %arg4[%add3A_261, %dma_start3A_270] : memref<327680x64xf32, #tpu.memory_space<hbm>> -> memref<128x64xf32, #tpu.memory_space<hbm>>
      %dma_start3A_272 = arith.constant 0 : i32
      %dma_start3A_273 = arith.constant 0 : i32
      %dma_start3A_274 = tpu.memref_slice %arg6[%dma_start3A_262, %dma_start3A_263, %dma_start3A_272, %dma_start3A_273] : memref<2x5x128x64xf32, #tpu.memory_space<vmem>> -> memref<1x1x128x64xf32, #tpu.memory_space<vmem>>
      %dma_start3A_275 = tpu.memref_squeeze %dma_start3A_274 : memref<1x1x128x64xf32, #tpu.memory_space<vmem>> -> memref<128x64xf32, #tpu.memory_space<vmem>>
      tpu.enqueue_dma source(%dma_start3A_275 : memref<128x64xf32, #tpu.memory_space<vmem>>) target(%dma_start3A_271 : memref<128x64xf32, #tpu.memory_space<hbm>>) target_semaphore(%arg8 : memref<!tpu.dma_semaphore, #tpu.memory_space<semaphore_mem>>)
      %add3A_276 = arith.constant 3 : i32
      %add3A_277 = arith.addi %mul3A_148, %add3A_276 : i32
      %mul3A_278 = arith.constant 128 : i32
      %mul3A_279 = arith.muli %add3A_277, %mul3A_278 : i32
      %add3A_280 = arith.addi %mul3A_2, %mul3A_279 : i32
      %dma_start3A_281 = arith.constant 0 : i32
      %dma_start3A_282 = arith.constant 3 : i32
      %dma_start3A_283 = arith.constant 0 : i32
      %dma_start3A_284 = arith.constant 0 : i32
      %dma_start3A_285 = tpu.memref_slice %arg6[%dma_start3A_281, %dma_start3A_282, %dma_start3A_283, %dma_start3A_284] : memref<2x5x128x64xf32, #tpu.memory_space<vmem>> -> memref<1x1x128x64xf32, #tpu.memory_space<vmem>>
      %dma_start3A_286 = tpu.memref_squeeze %dma_start3A_285 : memref<1x1x128x64xf32, #tpu.memory_space<vmem>> -> memref<128x64xf32, #tpu.memory_space<vmem>>
      %dma_start3A_287 = arith.constant 0 : i32
      %dma_start3A_288 = tpu.memref_slice %arg4[%add3A_280, %dma_start3A_287] : memref<327680x64xf32, #tpu.memory_space<hbm>> -> memref<128x64xf32, #tpu.memory_space<hbm>>
      %dma_start3A_289 = arith.constant 0 : i32
      %dma_start3A_290 = tpu.memref_slice %arg4[%add3A_280, %dma_start3A_289] : memref<327680x64xf32, #tpu.memory_space<hbm>> -> memref<128x64xf32, #tpu.memory_space<hbm>>
      %dma_start3A_291 = arith.constant 0 : i32
      %dma_start3A_292 = arith.constant 0 : i32
      %dma_start3A_293 = tpu.memref_slice %arg6[%dma_start3A_281, %dma_start3A_282, %dma_start3A_291, %dma_start3A_292] : memref<2x5x128x64xf32, #tpu.memory_space<vmem>> -> memref<1x1x128x64xf32, #tpu.memory_space<vmem>>
      %dma_start3A_294 = tpu.memref_squeeze %dma_start3A_293 : memref<1x1x128x64xf32, #tpu.memory_space<vmem>> -> memref<128x64xf32, #tpu.memory_space<vmem>>
      tpu.enqueue_dma source(%dma_start3A_294 : memref<128x64xf32, #tpu.memory_space<vmem>>) target(%dma_start3A_290 : memref<128x64xf32, #tpu.memory_space<hbm>>) target_semaphore(%arg8 : memref<!tpu.dma_semaphore, #tpu.memory_space<semaphore_mem>>)
      %add3A_295 = arith.constant 4 : i32
      %add3A_296 = arith.addi %mul3A_148, %add3A_295 : i32
      %mul3A_297 = arith.constant 128 : i32
      %mul3A_298 = arith.muli %add3A_296, %mul3A_297 : i32
      %add3A_299 = arith.addi %mul3A_2, %mul3A_298 : i32
      %dma_start3A_300 = arith.constant 0 : i32
      %dma_start3A_301 = arith.constant 4 : i32
      %dma_start3A_302 = arith.constant 0 : i32
      %dma_start3A_303 = arith.constant 0 : i32
      %dma_start3A_304 = tpu.memref_slice %arg6[%dma_start3A_300, %dma_start3A_301, %dma_start3A_302, %dma_start3A_303] : memref<2x5x128x64xf32, #tpu.memory_space<vmem>> -> memref<1x1x128x64xf32, #tpu.memory_space<vmem>>
      %dma_start3A_305 = tpu.memref_squeeze %dma_start3A_304 : memref<1x1x128x64xf32, #tpu.memory_space<vmem>> -> memref<128x64xf32, #tpu.memory_space<vmem>>
      %dma_start3A_306 = arith.constant 0 : i32
      %dma_start3A_307 = tpu.memref_slice %arg4[%add3A_299, %dma_start3A_306] : memref<327680x64xf32, #tpu.memory_space<hbm>> -> memref<128x64xf32, #tpu.memory_space<hbm>>
      %dma_start3A_308 = arith.constant 0 : i32
      %dma_start3A_309 = tpu.memref_slice %arg4[%add3A_299, %dma_start3A_308] : memref<327680x64xf32, #tpu.memory_space<hbm>> -> memref<128x64xf32, #tpu.memory_space<hbm>>
      %dma_start3A_310 = arith.constant 0 : i32
      %dma_start3A_311 = arith.constant 0 : i32
      %dma_start3A_312 = tpu.memref_slice %arg6[%dma_start3A_300, %dma_start3A_301, %dma_start3A_310, %dma_start3A_311] : memref<2x5x128x64xf32, #tpu.memory_space<vmem>> -> memref<1x1x128x64xf32, #tpu.memory_space<vmem>>
      %dma_start3A_313 = tpu.memref_squeeze %dma_start3A_312 : memref<1x1x128x64xf32, #tpu.memory_space<vmem>> -> memref<128x64xf32, #tpu.memory_space<vmem>>
      tpu.enqueue_dma source(%dma_start3A_313 : memref<128x64xf32, #tpu.memory_space<vmem>>) target(%dma_start3A_309 : memref<128x64xf32, #tpu.memory_space<hbm>>) target_semaphore(%arg8 : memref<!tpu.dma_semaphore, #tpu.memory_space<semaphore_mem>>)
      %gt3A = arith.constant 0 : i32
      %gt3A_314 = arith.cmpi sgt, %add3A_146, %gt3A : i32
      %convert_element_type3A = arith.extui %gt3A_314 : i1 to i32
      %cond3A = arith.constant 0 : i32
      %cond3A_315 = arith.cmpi ne, %convert_element_type3A, %cond3A : i32
      scf.if %cond3A_315 {
        %dma_wait3A_503 = arith.constant 1 : i32
        %dma_wait3A_504 = arith.constant 0 : i32
        %dma_wait3A_505 = arith.constant 0 : i32
        %dma_wait3A_506 = arith.constant 0 : i32
        %dma_wait3A_507 = tpu.memref_slice %arg6[%dma_wait3A_503, %dma_wait3A_504, %dma_wait3A_505, %dma_wait3A_506] : memref<2x5x128x64xf32, #tpu.memory_space<vmem>> -> memref<1x1x128x64xf32, #tpu.memory_space<vmem>>
        %dma_wait3A_508 = tpu.memref_squeeze %dma_wait3A_507 : memref<1x1x128x64xf32, #tpu.memory_space<vmem>> -> memref<128x64xf32, #tpu.memory_space<vmem>>
        %dma_wait3A_509 = arith.constant 0 : i32
        %dma_wait3A_510 = tpu.memref_slice %arg4[%mul3A_2, %dma_wait3A_509] : memref<327680x64xf32, #tpu.memory_space<hbm>> -> memref<128x64xf32, #tpu.memory_space<hbm>>
        %dma_wait3A_511 = arith.constant 0 : i32
        %dma_wait3A_512 = tpu.memref_slice %arg4[%mul3A_2, %dma_wait3A_511] : memref<327680x64xf32, #tpu.memory_space<hbm>> -> memref<128x64xf32, #tpu.memory_space<hbm>>
        %dma_wait3A_513 = arith.constant 0 : i32
        %dma_wait3A_514 = arith.constant 0 : i32
        %dma_wait3A_515 = tpu.memref_slice %arg6[%dma_wait3A_503, %dma_wait3A_504, %dma_wait3A_513, %dma_wait3A_514] : memref<2x5x128x64xf32, #tpu.memory_space<vmem>> -> memref<1x1x128x64xf32, #tpu.memory_space<vmem>>
        %dma_wait3A_516 = tpu.memref_squeeze %dma_wait3A_515 : memref<1x1x128x64xf32, #tpu.memory_space<vmem>> -> memref<128x64xf32, #tpu.memory_space<vmem>>
        tpu.wait_dma2 semaphore(%arg9 : memref<!tpu.dma_semaphore, #tpu.memory_space<semaphore_mem>>) src(%dma_wait3A_516 : memref<128x64xf32, #tpu.memory_space<vmem>>) dst(%dma_wait3A_512 : memref<128x64xf32, #tpu.memory_space<hbm>>)
        %dma_wait3A_517 = arith.constant 1 : i32
        %dma_wait3A_518 = arith.constant 1 : i32
        %dma_wait3A_519 = arith.constant 0 : i32
        %dma_wait3A_520 = arith.constant 0 : i32
        %dma_wait3A_521 = tpu.memref_slice %arg6[%dma_wait3A_517, %dma_wait3A_518, %dma_wait3A_519, %dma_wait3A_520] : memref<2x5x128x64xf32, #tpu.memory_space<vmem>> -> memref<1x1x128x64xf32, #tpu.memory_space<vmem>>
        %dma_wait3A_522 = tpu.memref_squeeze %dma_wait3A_521 : memref<1x1x128x64xf32, #tpu.memory_space<vmem>> -> memref<128x64xf32, #tpu.memory_space<vmem>>
        %dma_wait3A_523 = arith.constant 0 : i32
        %dma_wait3A_524 = tpu.memref_slice %arg4[%mul3A_2, %dma_wait3A_523] : memref<327680x64xf32, #tpu.memory_space<hbm>> -> memref<128x64xf32, #tpu.memory_space<hbm>>
        %dma_wait3A_525 = arith.constant 0 : i32
        %dma_wait3A_526 = tpu.memref_slice %arg4[%mul3A_2, %dma_wait3A_525] : memref<327680x64xf32, #tpu.memory_space<hbm>> -> memref<128x64xf32, #tpu.memory_space<hbm>>
        %dma_wait3A_527 = arith.constant 0 : i32
        %dma_wait3A_528 = arith.constant 0 : i32
        %dma_wait3A_529 = tpu.memref_slice %arg6[%dma_wait3A_517, %dma_wait3A_518, %dma_wait3A_527, %dma_wait3A_528] : memref<2x5x128x64xf32, #tpu.memory_space<vmem>> -> memref<1x1x128x64xf32, #tpu.memory_space<vmem>>
        %dma_wait3A_530 = tpu.memref_squeeze %dma_wait3A_529 : memref<1x1x128x64xf32, #tpu.memory_space<vmem>> -> memref<128x64xf32, #tpu.memory_space<vmem>>
        tpu.wait_dma2 semaphore(%arg9 : memref<!tpu.dma_semaphore, #tpu.memory_space<semaphore_mem>>) src(%dma_wait3A_530 : memref<128x64xf32, #tpu.memory_space<vmem>>) dst(%dma_wait3A_526 : memref<128x64xf32, #tpu.memory_space<hbm>>)
        %dma_wait3A_531 = arith.constant 1 : i32
        %dma_wait3A_532 = arith.constant 2 : i32
        %dma_wait3A_533 = arith.constant 0 : i32
        %dma_wait3A_534 = arith.constant 0 : i32
        %dma_wait3A_535 = tpu.memref_slice %arg6[%dma_wait3A_531, %dma_wait3A_532, %dma_wait3A_533, %dma_wait3A_534] : memref<2x5x128x64xf32, #tpu.memory_space<vmem>> -> memref<1x1x128x64xf32, #tpu.memory_space<vmem>>
        %dma_wait3A_536 = tpu.memref_squeeze %dma_wait3A_535 : memref<1x1x128x64xf32, #tpu.memory_space<vmem>> -> memref<128x64xf32, #tpu.memory_space<vmem>>
        %dma_wait3A_537 = arith.constant 0 : i32
        %dma_wait3A_538 = tpu.memref_slice %arg4[%mul3A_2, %dma_wait3A_537] : memref<327680x64xf32, #tpu.memory_space<hbm>> -> memref<128x64xf32, #tpu.memory_space<hbm>>
        %dma_wait3A_539 = arith.constant 0 : i32
        %dma_wait3A_540 = tpu.memref_slice %arg4[%mul3A_2, %dma_wait3A_539] : memref<327680x64xf32, #tpu.memory_space<hbm>> -> memref<128x64xf32, #tpu.memory_space<hbm>>
        %dma_wait3A_541 = arith.constant 0 : i32
        %dma_wait3A_542 = arith.constant 0 : i32
        %dma_wait3A_543 = tpu.memref_slice %arg6[%dma_wait3A_531, %dma_wait3A_532, %dma_wait3A_541, %dma_wait3A_542] : memref<2x5x128x64xf32, #tpu.memory_space<vmem>> -> memref<1x1x128x64xf32, #tpu.memory_space<vmem>>
        %dma_wait3A_544 = tpu.memref_squeeze %dma_wait3A_543 : memref<1x1x128x64xf32, #tpu.memory_space<vmem>> -> memref<128x64xf32, #tpu.memory_space<vmem>>
        tpu.wait_dma2 semaphore(%arg9 : memref<!tpu.dma_semaphore, #tpu.memory_space<semaphore_mem>>) src(%dma_wait3A_544 : memref<128x64xf32, #tpu.memory_space<vmem>>) dst(%dma_wait3A_540 : memref<128x64xf32, #tpu.memory_space<hbm>>)
        %dma_wait3A_545 = arith.constant 1 : i32
        %dma_wait3A_546 = arith.constant 3 : i32
        %dma_wait3A_547 = arith.constant 0 : i32
        %dma_wait3A_548 = arith.constant 0 : i32
        %dma_wait3A_549 = tpu.memref_slice %arg6[%dma_wait3A_545, %dma_wait3A_546, %dma_wait3A_547, %dma_wait3A_548] : memref<2x5x128x64xf32, #tpu.memory_space<vmem>> -> memref<1x1x128x64xf32, #tpu.memory_space<vmem>>
        %dma_wait3A_550 = tpu.memref_squeeze %dma_wait3A_549 : memref<1x1x128x64xf32, #tpu.memory_space<vmem>> -> memref<128x64xf32, #tpu.memory_space<vmem>>
        %dma_wait3A_551 = arith.constant 0 : i32
        %dma_wait3A_552 = tpu.memref_slice %arg4[%mul3A_2, %dma_wait3A_551] : memref<327680x64xf32, #tpu.memory_space<hbm>> -> memref<128x64xf32, #tpu.memory_space<hbm>>
        %dma_wait3A_553 = arith.constant 0 : i32
        %dma_wait3A_554 = tpu.memref_slice %arg4[%mul3A_2, %dma_wait3A_553] : memref<327680x64xf32, #tpu.memory_space<hbm>> -> memref<128x64xf32, #tpu.memory_space<hbm>>
        %dma_wait3A_555 = arith.constant 0 : i32
        %dma_wait3A_556 = arith.constant 0 : i32
        %dma_wait3A_557 = tpu.memref_slice %arg6[%dma_wait3A_545, %dma_wait3A_546, %dma_wait3A_555, %dma_wait3A_556] : memref<2x5x128x64xf32, #tpu.memory_space<vmem>> -> memref<1x1x128x64xf32, #tpu.memory_space<vmem>>
        %dma_wait3A_558 = tpu.memref_squeeze %dma_wait3A_557 : memref<1x1x128x64xf32, #tpu.memory_space<vmem>> -> memref<128x64xf32, #tpu.memory_space<vmem>>
        tpu.wait_dma2 semaphore(%arg9 : memref<!tpu.dma_semaphore, #tpu.memory_space<semaphore_mem>>) src(%dma_wait3A_558 : memref<128x64xf32, #tpu.memory_space<vmem>>) dst(%dma_wait3A_554 : memref<128x64xf32, #tpu.memory_space<hbm>>)
        %dma_wait3A_559 = arith.constant 1 : i32
        %dma_wait3A_560 = arith.constant 4 : i32
        %dma_wait3A_561 = arith.constant 0 : i32
        %dma_wait3A_562 = arith.constant 0 : i32
        %dma_wait3A_563 = tpu.memref_slice %arg6[%dma_wait3A_559, %dma_wait3A_560, %dma_wait3A_561, %dma_wait3A_562] : memref<2x5x128x64xf32, #tpu.memory_space<vmem>> -> memref<1x1x128x64xf32, #tpu.memory_space<vmem>>
        %dma_wait3A_564 = tpu.memref_squeeze %dma_wait3A_563 : memref<1x1x128x64xf32, #tpu.memory_space<vmem>> -> memref<128x64xf32, #tpu.memory_space<vmem>>
        %dma_wait3A_565 = arith.constant 0 : i32
        %dma_wait3A_566 = tpu.memref_slice %arg4[%mul3A_2, %dma_wait3A_565] : memref<327680x64xf32, #tpu.memory_space<hbm>> -> memref<128x64xf32, #tpu.memory_space<hbm>>
        %dma_wait3A_567 = arith.constant 0 : i32
        %dma_wait3A_568 = tpu.memref_slice %arg4[%mul3A_2, %dma_wait3A_567] : memref<327680x64xf32, #tpu.memory_space<hbm>> -> memref<128x64xf32, #tpu.memory_space<hbm>>
        %dma_wait3A_569 = arith.constant 0 : i32
        %dma_wait3A_570 = arith.constant 0 : i32
        %dma_wait3A_571 = tpu.memref_slice %arg6[%dma_wait3A_559, %dma_wait3A_560, %dma_wait3A_569, %dma_wait3A_570] : memref<2x5x128x64xf32, #tpu.memory_space<vmem>> -> memref<1x1x128x64xf32, #tpu.memory_space<vmem>>
        %dma_wait3A_572 = tpu.memref_squeeze %dma_wait3A_571 : memref<1x1x128x64xf32, #tpu.memory_space<vmem>> -> memref<128x64xf32, #tpu.memory_space<vmem>>
        tpu.wait_dma2 semaphore(%arg9 : memref<!tpu.dma_semaphore, #tpu.memory_space<semaphore_mem>>) src(%dma_wait3A_572 : memref<128x64xf32, #tpu.memory_space<vmem>>) dst(%dma_wait3A_568 : memref<128x64xf32, #tpu.memory_space<hbm>>)
      } else {
      }
      %add3A_316 = arith.constant 1 : i32
      %add3A_317 = arith.addi %add3A_146, %add3A_316 : i32
      %lt3A = arith.constant 16 : i32
      %lt3A_318 = arith.cmpi slt, %add3A_317, %lt3A : i32
      %convert_element_type3A_319 = arith.extui %lt3A_318 : i1 to i32
      %cond3A_320 = arith.constant 0 : i32
      %cond3A_321 = arith.cmpi ne, %convert_element_type3A_319, %cond3A_320 : i32
      scf.if %cond3A_321 {
        %add3A_503 = arith.constant 1 : i32
        %add3A_504 = arith.addi %add3A_146, %add3A_503 : i32
        %mul3A_505 = arith.constant 5 : i32
        %mul3A_506 = arith.muli %add3A_504, %mul3A_505 : i32
        %add3A_507 = arith.constant 0 : i32
        %add3A_508 = arith.addi %mul3A_506, %add3A_507 : i32
        %dma_start3A_509 = arith.constant 1 : i32
        %dma_start3A_510 = arith.constant 0 : i32
        %dma_start3A_511 = arith.constant 0 : i32
        %dma_start3A_512 = arith.constant 0 : i32
        %dma_start3A_513 = tpu.memref_slice %arg6[%dma_start3A_509, %dma_start3A_510, %dma_start3A_511, %dma_start3A_512] : memref<2x5x128x64xf32, #tpu.memory_space<vmem>> -> memref<1x1x128x64xf32, #tpu.memory_space<vmem>>
        %dma_start3A_514 = tpu.memref_squeeze %dma_start3A_513 : memref<1x1x128x64xf32, #tpu.memory_space<vmem>> -> memref<128x64xf32, #tpu.memory_space<vmem>>
        %dma_start3A_515 = arith.constant 0 : i32
        %dma_start3A_516 = tpu.memref_slice %arg5[%add3A_508, %dma_start3A_515] : memref<80x128xi32, #tpu.memory_space<vmem>> -> memref<1x128xi32, #tpu.memory_space<vmem>>
        %dma_start3A_517 = tpu.memref_squeeze %dma_start3A_516 : memref<1x128xi32, #tpu.memory_space<vmem>> -> memref<128xi32, #tpu.memory_space<vmem>>
        %dma_start3A_518 = arith.constant 0 : i32
        %dma_start3A_519 = arith.constant 0 : i32
        %dma_start3A_520 = tpu.memref_slice %arg2[%dma_start3A_518, %dma_start3A_519] : memref<1000000x64xf32, #tpu.memory_space<hbm>> -> memref<1000000x64xf32, #tpu.memory_space<hbm>>
        tpu.enqueue_indirect_dma source(%dma_start3A_520 : memref<1000000x64xf32, #tpu.memory_space<hbm>>) target(%dma_start3A_514 : memref<128x64xf32, #tpu.memory_space<vmem>>) offsets(%dma_start3A_517 : memref<128xi32, #tpu.memory_space<vmem>>) semaphore(%arg7 : memref<!tpu.dma_semaphore, #tpu.memory_space<semaphore_mem>>)
        %add3A_521 = arith.constant 1 : i32
        %add3A_522 = arith.addi %mul3A_506, %add3A_521 : i32
        %dma_start3A_523 = arith.constant 1 : i32
        %dma_start3A_524 = arith.constant 1 : i32
        %dma_start3A_525 = arith.constant 0 : i32
        %dma_start3A_526 = arith.constant 0 : i32
        %dma_start3A_527 = tpu.memref_slice %arg6[%dma_start3A_523, %dma_start3A_524, %dma_start3A_525, %dma_start3A_526] : memref<2x5x128x64xf32, #tpu.memory_space<vmem>> -> memref<1x1x128x64xf32, #tpu.memory_space<vmem>>
        %dma_start3A_528 = tpu.memref_squeeze %dma_start3A_527 : memref<1x1x128x64xf32, #tpu.memory_space<vmem>> -> memref<128x64xf32, #tpu.memory_space<vmem>>
        %dma_start3A_529 = arith.constant 0 : i32
        %dma_start3A_530 = tpu.memref_slice %arg5[%add3A_522, %dma_start3A_529] : memref<80x128xi32, #tpu.memory_space<vmem>> -> memref<1x128xi32, #tpu.memory_space<vmem>>
        %dma_start3A_531 = tpu.memref_squeeze %dma_start3A_530 : memref<1x128xi32, #tpu.memory_space<vmem>> -> memref<128xi32, #tpu.memory_space<vmem>>
        %dma_start3A_532 = arith.constant 0 : i32
        %dma_start3A_533 = arith.constant 0 : i32
        %dma_start3A_534 = tpu.memref_slice %arg2[%dma_start3A_532, %dma_start3A_533] : memref<1000000x64xf32, #tpu.memory_space<hbm>> -> memref<1000000x64xf32, #tpu.memory_space<hbm>>
        tpu.enqueue_indirect_dma source(%dma_start3A_534 : memref<1000000x64xf32, #tpu.memory_space<hbm>>) target(%dma_start3A_528 : memref<128x64xf32, #tpu.memory_space<vmem>>) offsets(%dma_start3A_531 : memref<128xi32, #tpu.memory_space<vmem>>) semaphore(%arg7 : memref<!tpu.dma_semaphore, #tpu.memory_space<semaphore_mem>>)
        %add3A_535 = arith.constant 2 : i32
        %add3A_536 = arith.addi %mul3A_506, %add3A_535 : i32
        %dma_start3A_537 = arith.constant 1 : i32
        %dma_start3A_538 = arith.constant 2 : i32
        %dma_start3A_539 = arith.constant 0 : i32
        %dma_start3A_540 = arith.constant 0 : i32
        %dma_start3A_541 = tpu.memref_slice %arg6[%dma_start3A_537, %dma_start3A_538, %dma_start3A_539, %dma_start3A_540] : memref<2x5x128x64xf32, #tpu.memory_space<vmem>> -> memref<1x1x128x64xf32, #tpu.memory_space<vmem>>
        %dma_start3A_542 = tpu.memref_squeeze %dma_start3A_541 : memref<1x1x128x64xf32, #tpu.memory_space<vmem>> -> memref<128x64xf32, #tpu.memory_space<vmem>>
        %dma_start3A_543 = arith.constant 0 : i32
        %dma_start3A_544 = tpu.memref_slice %arg5[%add3A_536, %dma_start3A_543] : memref<80x128xi32, #tpu.memory_space<vmem>> -> memref<1x128xi32, #tpu.memory_space<vmem>>
        %dma_start3A_545 = tpu.memref_squeeze %dma_start3A_544 : memref<1x128xi32, #tpu.memory_space<vmem>> -> memref<128xi32, #tpu.memory_space<vmem>>
        %dma_start3A_546 = arith.constant 0 : i32
        %dma_start3A_547 = arith.constant 0 : i32
        %dma_start3A_548 = tpu.memref_slice %arg2[%dma_start3A_546, %dma_start3A_547] : memref<1000000x64xf32, #tpu.memory_space<hbm>> -> memref<1000000x64xf32, #tpu.memory_space<hbm>>
        tpu.enqueue_indirect_dma source(%dma_start3A_548 : memref<1000000x64xf32, #tpu.memory_space<hbm>>) target(%dma_start3A_542 : memref<128x64xf32, #tpu.memory_space<vmem>>) offsets(%dma_start3A_545 : memref<128xi32, #tpu.memory_space<vmem>>) semaphore(%arg7 : memref<!tpu.dma_semaphore, #tpu.memory_space<semaphore_mem>>)
        %add3A_549 = arith.constant 3 : i32
        %add3A_550 = arith.addi %mul3A_506, %add3A_549 : i32
        %dma_start3A_551 = arith.constant 1 : i32
        %dma_start3A_552 = arith.constant 3 : i32
        %dma_start3A_553 = arith.constant 0 : i32
        %dma_start3A_554 = arith.constant 0 : i32
        %dma_start3A_555 = tpu.memref_slice %arg6[%dma_start3A_551, %dma_start3A_552, %dma_start3A_553, %dma_start3A_554] : memref<2x5x128x64xf32, #tpu.memory_space<vmem>> -> memref<1x1x128x64xf32, #tpu.memory_space<vmem>>
        %dma_start3A_556 = tpu.memref_squeeze %dma_start3A_555 : memref<1x1x128x64xf32, #tpu.memory_space<vmem>> -> memref<128x64xf32, #tpu.memory_space<vmem>>
        %dma_start3A_557 = arith.constant 0 : i32
        %dma_start3A_558 = tpu.memref_slice %arg5[%add3A_550, %dma_start3A_557] : memref<80x128xi32, #tpu.memory_space<vmem>> -> memref<1x128xi32, #tpu.memory_space<vmem>>
        %dma_start3A_559 = tpu.memref_squeeze %dma_start3A_558 : memref<1x128xi32, #tpu.memory_space<vmem>> -> memref<128xi32, #tpu.memory_space<vmem>>
        %dma_start3A_560 = arith.constant 0 : i32
        %dma_start3A_561 = arith.constant 0 : i32
        %dma_start3A_562 = tpu.memref_slice %arg2[%dma_start3A_560, %dma_start3A_561] : memref<1000000x64xf32, #tpu.memory_space<hbm>> -> memref<1000000x64xf32, #tpu.memory_space<hbm>>
        tpu.enqueue_indirect_dma source(%dma_start3A_562 : memref<1000000x64xf32, #tpu.memory_space<hbm>>) target(%dma_start3A_556 : memref<128x64xf32, #tpu.memory_space<vmem>>) offsets(%dma_start3A_559 : memref<128xi32, #tpu.memory_space<vmem>>) semaphore(%arg7 : memref<!tpu.dma_semaphore, #tpu.memory_space<semaphore_mem>>)
        %add3A_563 = arith.constant 4 : i32
        %add3A_564 = arith.addi %mul3A_506, %add3A_563 : i32
        %dma_start3A_565 = arith.constant 1 : i32
        %dma_start3A_566 = arith.constant 4 : i32
        %dma_start3A_567 = arith.constant 0 : i32
        %dma_start3A_568 = arith.constant 0 : i32
        %dma_start3A_569 = tpu.memref_slice %arg6[%dma_start3A_565, %dma_start3A_566, %dma_start3A_567, %dma_start3A_568] : memref<2x5x128x64xf32, #tpu.memory_space<vmem>> -> memref<1x1x128x64xf32, #tpu.memory_space<vmem>>
        %dma_start3A_570 = tpu.memref_squeeze %dma_start3A_569 : memref<1x1x128x64xf32, #tpu.memory_space<vmem>> -> memref<128x64xf32, #tpu.memory_space<vmem>>
        %dma_start3A_571 = arith.constant 0 : i32
        %dma_start3A_572 = tpu.memref_slice %arg5[%add3A_564, %dma_start3A_571] : memref<80x128xi32, #tpu.memory_space<vmem>> -> memref<1x128xi32, #tpu.memory_space<vmem>>
        %dma_start3A_573 = tpu.memref_squeeze %dma_start3A_572 : memref<1x128xi32, #tpu.memory_space<vmem>> -> memref<128xi32, #tpu.memory_space<vmem>>
        %dma_start3A_574 = arith.constant 0 : i32
        %dma_start3A_575 = arith.constant 0 : i32
        %dma_start3A_576 = tpu.memref_slice %arg2[%dma_start3A_574, %dma_start3A_575] : memref<1000000x64xf32, #tpu.memory_space<hbm>> -> memref<1000000x64xf32, #tpu.memory_space<hbm>>
        tpu.enqueue_indirect_dma source(%dma_start3A_576 : memref<1000000x64xf32, #tpu.memory_space<hbm>>) target(%dma_start3A_570 : memref<128x64xf32, #tpu.memory_space<vmem>>) offsets(%dma_start3A_573 : memref<128xi32, #tpu.memory_space<vmem>>) semaphore(%arg7 : memref<!tpu.dma_semaphore, #tpu.memory_space<semaphore_mem>>)
      } else {
      }
      %add3A_322 = arith.constant 1 : i32
      %add3A_323 = arith.addi %add3A_144, %add3A_322 : i32
      %mul3A_324 = arith.constant 5 : i32
      %mul3A_325 = arith.muli %add3A_323, %mul3A_324 : i32
      %add3A_326 = arith.constant 0 : i32
      %add3A_327 = arith.addi %mul3A_325, %add3A_326 : i32
      %dma_wait3A_328 = arith.constant 1 : i32
      %dma_wait3A_329 = arith.constant 0 : i32
      %dma_wait3A_330 = arith.constant 0 : i32
      %dma_wait3A_331 = arith.constant 0 : i32
      %dma_wait3A_332 = tpu.memref_slice %arg6[%dma_wait3A_328, %dma_wait3A_329, %dma_wait3A_330, %dma_wait3A_331] : memref<2x5x128x64xf32, #tpu.memory_space<vmem>> -> memref<1x1x128x64xf32, #tpu.memory_space<vmem>>
      %dma_wait3A_333 = tpu.memref_squeeze %dma_wait3A_332 : memref<1x1x128x64xf32, #tpu.memory_space<vmem>> -> memref<128x64xf32, #tpu.memory_space<vmem>>
      %dma_wait3A_334 = arith.constant 0 : i32
      %dma_wait3A_335 = tpu.memref_slice %arg5[%add3A_327, %dma_wait3A_334] : memref<80x128xi32, #tpu.memory_space<vmem>> -> memref<1x128xi32, #tpu.memory_space<vmem>>
      %dma_wait3A_336 = tpu.memref_squeeze %dma_wait3A_335 : memref<1x128xi32, #tpu.memory_space<vmem>> -> memref<128xi32, #tpu.memory_space<vmem>>
      %dma_wait3A_337 = arith.constant 0 : i32
      %dma_wait3A_338 = arith.constant 0 : i32
      %dma_wait3A_339 = tpu.memref_slice %arg2[%dma_wait3A_337, %dma_wait3A_338] : memref<1000000x64xf32, #tpu.memory_space<hbm>> -> memref<1000000x64xf32, #tpu.memory_space<hbm>>
      tpu.wait_indirect_dma semaphore(%arg7 : memref<!tpu.dma_semaphore, #tpu.memory_space<semaphore_mem>>) src(%dma_wait3A_339 : memref<1000000x64xf32, #tpu.memory_space<hbm>>) dst(%dma_wait3A_333 : memref<128x64xf32, #tpu.memory_space<vmem>>)
      %add3A_340 = arith.constant 1 : i32
      %add3A_341 = arith.addi %mul3A_325, %add3A_340 : i32
      %dma_wait3A_342 = arith.constant 1 : i32
      %dma_wait3A_343 = arith.constant 1 : i32
      %dma_wait3A_344 = arith.constant 0 : i32
      %dma_wait3A_345 = arith.constant 0 : i32
      %dma_wait3A_346 = tpu.memref_slice %arg6[%dma_wait3A_342, %dma_wait3A_343, %dma_wait3A_344, %dma_wait3A_345] : memref<2x5x128x64xf32, #tpu.memory_space<vmem>> -> memref<1x1x128x64xf32, #tpu.memory_space<vmem>>
      %dma_wait3A_347 = tpu.memref_squeeze %dma_wait3A_346 : memref<1x1x128x64xf32, #tpu.memory_space<vmem>> -> memref<128x64xf32, #tpu.memory_space<vmem>>
      %dma_wait3A_348 = arith.constant 0 : i32
      %dma_wait3A_349 = tpu.memref_slice %arg5[%add3A_341, %dma_wait3A_348] : memref<80x128xi32, #tpu.memory_space<vmem>> -> memref<1x128xi32, #tpu.memory_space<vmem>>
      %dma_wait3A_350 = tpu.memref_squeeze %dma_wait3A_349 : memref<1x128xi32, #tpu.memory_space<vmem>> -> memref<128xi32, #tpu.memory_space<vmem>>
      %dma_wait3A_351 = arith.constant 0 : i32
      %dma_wait3A_352 = arith.constant 0 : i32
      %dma_wait3A_353 = tpu.memref_slice %arg2[%dma_wait3A_351, %dma_wait3A_352] : memref<1000000x64xf32, #tpu.memory_space<hbm>> -> memref<1000000x64xf32, #tpu.memory_space<hbm>>
      tpu.wait_indirect_dma semaphore(%arg7 : memref<!tpu.dma_semaphore, #tpu.memory_space<semaphore_mem>>) src(%dma_wait3A_353 : memref<1000000x64xf32, #tpu.memory_space<hbm>>) dst(%dma_wait3A_347 : memref<128x64xf32, #tpu.memory_space<vmem>>)
      %add3A_354 = arith.constant 2 : i32
      %add3A_355 = arith.addi %mul3A_325, %add3A_354 : i32
      %dma_wait3A_356 = arith.constant 1 : i32
      %dma_wait3A_357 = arith.constant 2 : i32
      %dma_wait3A_358 = arith.constant 0 : i32
      %dma_wait3A_359 = arith.constant 0 : i32
      %dma_wait3A_360 = tpu.memref_slice %arg6[%dma_wait3A_356, %dma_wait3A_357, %dma_wait3A_358, %dma_wait3A_359] : memref<2x5x128x64xf32, #tpu.memory_space<vmem>> -> memref<1x1x128x64xf32, #tpu.memory_space<vmem>>
      %dma_wait3A_361 = tpu.memref_squeeze %dma_wait3A_360 : memref<1x1x128x64xf32, #tpu.memory_space<vmem>> -> memref<128x64xf32, #tpu.memory_space<vmem>>
      %dma_wait3A_362 = arith.constant 0 : i32
      %dma_wait3A_363 = tpu.memref_slice %arg5[%add3A_355, %dma_wait3A_362] : memref<80x128xi32, #tpu.memory_space<vmem>> -> memref<1x128xi32, #tpu.memory_space<vmem>>
      %dma_wait3A_364 = tpu.memref_squeeze %dma_wait3A_363 : memref<1x128xi32, #tpu.memory_space<vmem>> -> memref<128xi32, #tpu.memory_space<vmem>>
      %dma_wait3A_365 = arith.constant 0 : i32
      %dma_wait3A_366 = arith.constant 0 : i32
      %dma_wait3A_367 = tpu.memref_slice %arg2[%dma_wait3A_365, %dma_wait3A_366] : memref<1000000x64xf32, #tpu.memory_space<hbm>> -> memref<1000000x64xf32, #tpu.memory_space<hbm>>
      tpu.wait_indirect_dma semaphore(%arg7 : memref<!tpu.dma_semaphore, #tpu.memory_space<semaphore_mem>>) src(%dma_wait3A_367 : memref<1000000x64xf32, #tpu.memory_space<hbm>>) dst(%dma_wait3A_361 : memref<128x64xf32, #tpu.memory_space<vmem>>)
      %add3A_368 = arith.constant 3 : i32
      %add3A_369 = arith.addi %mul3A_325, %add3A_368 : i32
      %dma_wait3A_370 = arith.constant 1 : i32
      %dma_wait3A_371 = arith.constant 3 : i32
      %dma_wait3A_372 = arith.constant 0 : i32
      %dma_wait3A_373 = arith.constant 0 : i32
      %dma_wait3A_374 = tpu.memref_slice %arg6[%dma_wait3A_370, %dma_wait3A_371, %dma_wait3A_372, %dma_wait3A_373] : memref<2x5x128x64xf32, #tpu.memory_space<vmem>> -> memref<1x1x128x64xf32, #tpu.memory_space<vmem>>
      %dma_wait3A_375 = tpu.memref_squeeze %dma_wait3A_374 : memref<1x1x128x64xf32, #tpu.memory_space<vmem>> -> memref<128x64xf32, #tpu.memory_space<vmem>>
      %dma_wait3A_376 = arith.constant 0 : i32
      %dma_wait3A_377 = tpu.memref_slice %arg5[%add3A_369, %dma_wait3A_376] : memref<80x128xi32, #tpu.memory_space<vmem>> -> memref<1x128xi32, #tpu.memory_space<vmem>>
      %dma_wait3A_378 = tpu.memref_squeeze %dma_wait3A_377 : memref<1x128xi32, #tpu.memory_space<vmem>> -> memref<128xi32, #tpu.memory_space<vmem>>
      %dma_wait3A_379 = arith.constant 0 : i32
      %dma_wait3A_380 = arith.constant 0 : i32
      %dma_wait3A_381 = tpu.memref_slice %arg2[%dma_wait3A_379, %dma_wait3A_380] : memref<1000000x64xf32, #tpu.memory_space<hbm>> -> memref<1000000x64xf32, #tpu.memory_space<hbm>>
      tpu.wait_indirect_dma semaphore(%arg7 : memref<!tpu.dma_semaphore, #tpu.memory_space<semaphore_mem>>) src(%dma_wait3A_381 : memref<1000000x64xf32, #tpu.memory_space<hbm>>) dst(%dma_wait3A_375 : memref<128x64xf32, #tpu.memory_space<vmem>>)
      %add3A_382 = arith.constant 4 : i32
      %add3A_383 = arith.addi %mul3A_325, %add3A_382 : i32
      %dma_wait3A_384 = arith.constant 1 : i32
      %dma_wait3A_385 = arith.constant 4 : i32
      %dma_wait3A_386 = arith.constant 0 : i32
      %dma_wait3A_387 = arith.constant 0 : i32
      %dma_wait3A_388 = tpu.memref_slice %arg6[%dma_wait3A_384, %dma_wait3A_385, %dma_wait3A_386, %dma_wait3A_387] : memref<2x5x128x64xf32, #tpu.memory_space<vmem>> -> memref<1x1x128x64xf32, #tpu.memory_space<vmem>>
      %dma_wait3A_389 = tpu.memref_squeeze %dma_wait3A_388 : memref<1x1x128x64xf32, #tpu.memory_space<vmem>> -> memref<128x64xf32, #tpu.memory_space<vmem>>
      %dma_wait3A_390 = arith.constant 0 : i32
      %dma_wait3A_391 = tpu.memref_slice %arg5[%add3A_383, %dma_wait3A_390] : memref<80x128xi32, #tpu.memory_space<vmem>> -> memref<1x128xi32, #tpu.memory_space<vmem>>
      %dma_wait3A_392 = tpu.memref_squeeze %dma_wait3A_391 : memref<1x128xi32, #tpu.memory_space<vmem>> -> memref<128xi32, #tpu.memory_space<vmem>>
      %dma_wait3A_393 = arith.constant 0 : i32
      %dma_wait3A_394 = arith.constant 0 : i32
      %dma_wait3A_395 = tpu.memref_slice %arg2[%dma_wait3A_393, %dma_wait3A_394] : memref<1000000x64xf32, #tpu.memory_space<hbm>> -> memref<1000000x64xf32, #tpu.memory_space<hbm>>
      tpu.wait_indirect_dma semaphore(%arg7 : memref<!tpu.dma_semaphore, #tpu.memory_space<semaphore_mem>>) src(%dma_wait3A_395 : memref<1000000x64xf32, #tpu.memory_space<hbm>>) dst(%dma_wait3A_389 : memref<128x64xf32, #tpu.memory_space<vmem>>)
      %add3A_396 = arith.constant 0 : i32
      %add3A_397 = arith.addi %mul3A_325, %add3A_396 : i32
      %mul3A_398 = arith.constant 128 : i32
      %mul3A_399 = arith.muli %add3A_397, %mul3A_398 : i32
      %add3A_400 = arith.addi %mul3A_2, %mul3A_399 : i32
      %dma_start3A_401 = arith.constant 1 : i32
      %dma_start3A_402 = arith.constant 0 : i32
      %dma_start3A_403 = arith.constant 0 : i32
      %dma_start3A_404 = arith.constant 0 : i32
      %dma_start3A_405 = tpu.memref_slice %arg6[%dma_start3A_401, %dma_start3A_402, %dma_start3A_403, %dma_start3A_404] : memref<2x5x128x64xf32, #tpu.memory_space<vmem>> -> memref<1x1x128x64xf32, #tpu.memory_space<vmem>>
      %dma_start3A_406 = tpu.memref_squeeze %dma_start3A_405 : memref<1x1x128x64xf32, #tpu.memory_space<vmem>> -> memref<128x64xf32, #tpu.memory_space<vmem>>
      %dma_start3A_407 = arith.constant 0 : i32
      %dma_start3A_408 = tpu.memref_slice %arg4[%add3A_400, %dma_start3A_407] : memref<327680x64xf32, #tpu.memory_space<hbm>> -> memref<128x64xf32, #tpu.memory_space<hbm>>
      %dma_start3A_409 = arith.constant 0 : i32
      %dma_start3A_410 = tpu.memref_slice %arg4[%add3A_400, %dma_start3A_409] : memref<327680x64xf32, #tpu.memory_space<hbm>> -> memref<128x64xf32, #tpu.memory_space<hbm>>
      %dma_start3A_411 = arith.constant 0 : i32
      %dma_start3A_412 = arith.constant 0 : i32
      %dma_start3A_413 = tpu.memref_slice %arg6[%dma_start3A_401, %dma_start3A_402, %dma_start3A_411, %dma_start3A_412] : memref<2x5x128x64xf32, #tpu.memory_space<vmem>> -> memref<1x1x128x64xf32, #tpu.memory_space<vmem>>
      %dma_start3A_414 = tpu.memref_squeeze %dma_start3A_413 : memref<1x1x128x64xf32, #tpu.memory_space<vmem>> -> memref<128x64xf32, #tpu.memory_space<vmem>>
      tpu.enqueue_dma source(%dma_start3A_414 : memref<128x64xf32, #tpu.memory_space<vmem>>) target(%dma_start3A_410 : memref<128x64xf32, #tpu.memory_space<hbm>>) target_semaphore(%arg9 : memref<!tpu.dma_semaphore, #tpu.memory_space<semaphore_mem>>)
      %add3A_415 = arith.constant 1 : i32
      %add3A_416 = arith.addi %mul3A_325, %add3A_415 : i32
      %mul3A_417 = arith.constant 128 : i32
      %mul3A_418 = arith.muli %add3A_416, %mul3A_417 : i32
      %add3A_419 = arith.addi %mul3A_2, %mul3A_418 : i32
      %dma_start3A_420 = arith.constant 1 : i32
      %dma_start3A_421 = arith.constant 1 : i32
      %dma_start3A_422 = arith.constant 0 : i32
      %dma_start3A_423 = arith.constant 0 : i32
      %dma_start3A_424 = tpu.memref_slice %arg6[%dma_start3A_420, %dma_start3A_421, %dma_start3A_422, %dma_start3A_423] : memref<2x5x128x64xf32, #tpu.memory_space<vmem>> -> memref<1x1x128x64xf32, #tpu.memory_space<vmem>>
      %dma_start3A_425 = tpu.memref_squeeze %dma_start3A_424 : memref<1x1x128x64xf32, #tpu.memory_space<vmem>> -> memref<128x64xf32, #tpu.memory_space<vmem>>
      %dma_start3A_426 = arith.constant 0 : i32
      %dma_start3A_427 = tpu.memref_slice %arg4[%add3A_419, %dma_start3A_426] : memref<327680x64xf32, #tpu.memory_space<hbm>> -> memref<128x64xf32, #tpu.memory_space<hbm>>
      %dma_start3A_428 = arith.constant 0 : i32
      %dma_start3A_429 = tpu.memref_slice %arg4[%add3A_419, %dma_start3A_428] : memref<327680x64xf32, #tpu.memory_space<hbm>> -> memref<128x64xf32, #tpu.memory_space<hbm>>
      %dma_start3A_430 = arith.constant 0 : i32
      %dma_start3A_431 = arith.constant 0 : i32
      %dma_start3A_432 = tpu.memref_slice %arg6[%dma_start3A_420, %dma_start3A_421, %dma_start3A_430, %dma_start3A_431] : memref<2x5x128x64xf32, #tpu.memory_space<vmem>> -> memref<1x1x128x64xf32, #tpu.memory_space<vmem>>
      %dma_start3A_433 = tpu.memref_squeeze %dma_start3A_432 : memref<1x1x128x64xf32, #tpu.memory_space<vmem>> -> memref<128x64xf32, #tpu.memory_space<vmem>>
      tpu.enqueue_dma source(%dma_start3A_433 : memref<128x64xf32, #tpu.memory_space<vmem>>) target(%dma_start3A_429 : memref<128x64xf32, #tpu.memory_space<hbm>>) target_semaphore(%arg9 : memref<!tpu.dma_semaphore, #tpu.memory_space<semaphore_mem>>)
      %add3A_434 = arith.constant 2 : i32
      %add3A_435 = arith.addi %mul3A_325, %add3A_434 : i32
      %mul3A_436 = arith.constant 128 : i32
      %mul3A_437 = arith.muli %add3A_435, %mul3A_436 : i32
      %add3A_438 = arith.addi %mul3A_2, %mul3A_437 : i32
      %dma_start3A_439 = arith.constant 1 : i32
      %dma_start3A_440 = arith.constant 2 : i32
      %dma_start3A_441 = arith.constant 0 : i32
      %dma_start3A_442 = arith.constant 0 : i32
      %dma_start3A_443 = tpu.memref_slice %arg6[%dma_start3A_439, %dma_start3A_440, %dma_start3A_441, %dma_start3A_442] : memref<2x5x128x64xf32, #tpu.memory_space<vmem>> -> memref<1x1x128x64xf32, #tpu.memory_space<vmem>>
      %dma_start3A_444 = tpu.memref_squeeze %dma_start3A_443 : memref<1x1x128x64xf32, #tpu.memory_space<vmem>> -> memref<128x64xf32, #tpu.memory_space<vmem>>
      %dma_start3A_445 = arith.constant 0 : i32
      %dma_start3A_446 = tpu.memref_slice %arg4[%add3A_438, %dma_start3A_445] : memref<327680x64xf32, #tpu.memory_space<hbm>> -> memref<128x64xf32, #tpu.memory_space<hbm>>
      %dma_start3A_447 = arith.constant 0 : i32
      %dma_start3A_448 = tpu.memref_slice %arg4[%add3A_438, %dma_start3A_447] : memref<327680x64xf32, #tpu.memory_space<hbm>> -> memref<128x64xf32, #tpu.memory_space<hbm>>
      %dma_start3A_449 = arith.constant 0 : i32
      %dma_start3A_450 = arith.constant 0 : i32
      %dma_start3A_451 = tpu.memref_slice %arg6[%dma_start3A_439, %dma_start3A_440, %dma_start3A_449, %dma_start3A_450] : memref<2x5x128x64xf32, #tpu.memory_space<vmem>> -> memref<1x1x128x64xf32, #tpu.memory_space<vmem>>
      %dma_start3A_452 = tpu.memref_squeeze %dma_start3A_451 : memref<1x1x128x64xf32, #tpu.memory_space<vmem>> -> memref<128x64xf32, #tpu.memory_space<vmem>>
      tpu.enqueue_dma source(%dma_start3A_452 : memref<128x64xf32, #tpu.memory_space<vmem>>) target(%dma_start3A_448 : memref<128x64xf32, #tpu.memory_space<hbm>>) target_semaphore(%arg9 : memref<!tpu.dma_semaphore, #tpu.memory_space<semaphore_mem>>)
      %add3A_453 = arith.constant 3 : i32
      %add3A_454 = arith.addi %mul3A_325, %add3A_453 : i32
      %mul3A_455 = arith.constant 128 : i32
      %mul3A_456 = arith.muli %add3A_454, %mul3A_455 : i32
      %add3A_457 = arith.addi %mul3A_2, %mul3A_456 : i32
      %dma_start3A_458 = arith.constant 1 : i32
      %dma_start3A_459 = arith.constant 3 : i32
      %dma_start3A_460 = arith.constant 0 : i32
      %dma_start3A_461 = arith.constant 0 : i32
      %dma_start3A_462 = tpu.memref_slice %arg6[%dma_start3A_458, %dma_start3A_459, %dma_start3A_460, %dma_start3A_461] : memref<2x5x128x64xf32, #tpu.memory_space<vmem>> -> memref<1x1x128x64xf32, #tpu.memory_space<vmem>>
      %dma_start3A_463 = tpu.memref_squeeze %dma_start3A_462 : memref<1x1x128x64xf32, #tpu.memory_space<vmem>> -> memref<128x64xf32, #tpu.memory_space<vmem>>
      %dma_start3A_464 = arith.constant 0 : i32
      %dma_start3A_465 = tpu.memref_slice %arg4[%add3A_457, %dma_start3A_464] : memref<327680x64xf32, #tpu.memory_space<hbm>> -> memref<128x64xf32, #tpu.memory_space<hbm>>
      %dma_start3A_466 = arith.constant 0 : i32
      %dma_start3A_467 = tpu.memref_slice %arg4[%add3A_457, %dma_start3A_466] : memref<327680x64xf32, #tpu.memory_space<hbm>> -> memref<128x64xf32, #tpu.memory_space<hbm>>
      %dma_start3A_468 = arith.constant 0 : i32
      %dma_start3A_469 = arith.constant 0 : i32
      %dma_start3A_470 = tpu.memref_slice %arg6[%dma_start3A_458, %dma_start3A_459, %dma_start3A_468, %dma_start3A_469] : memref<2x5x128x64xf32, #tpu.memory_space<vmem>> -> memref<1x1x128x64xf32, #tpu.memory_space<vmem>>
      %dma_start3A_471 = tpu.memref_squeeze %dma_start3A_470 : memref<1x1x128x64xf32, #tpu.memory_space<vmem>> -> memref<128x64xf32, #tpu.memory_space<vmem>>
      tpu.enqueue_dma source(%dma_start3A_471 : memref<128x64xf32, #tpu.memory_space<vmem>>) target(%dma_start3A_467 : memref<128x64xf32, #tpu.memory_space<hbm>>) target_semaphore(%arg9 : memref<!tpu.dma_semaphore, #tpu.memory_space<semaphore_mem>>)
      %add3A_472 = arith.constant 4 : i32
      %add3A_473 = arith.addi %mul3A_325, %add3A_472 : i32
      %mul3A_474 = arith.constant 128 : i32
      %mul3A_475 = arith.muli %add3A_473, %mul3A_474 : i32
      %add3A_476 = arith.addi %mul3A_2, %mul3A_475 : i32
      %dma_start3A_477 = arith.constant 1 : i32
      %dma_start3A_478 = arith.constant 4 : i32
      %dma_start3A_479 = arith.constant 0 : i32
      %dma_start3A_480 = arith.constant 0 : i32
      %dma_start3A_481 = tpu.memref_slice %arg6[%dma_start3A_477, %dma_start3A_478, %dma_start3A_479, %dma_start3A_480] : memref<2x5x128x64xf32, #tpu.memory_space<vmem>> -> memref<1x1x128x64xf32, #tpu.memory_space<vmem>>
      %dma_start3A_482 = tpu.memref_squeeze %dma_start3A_481 : memref<1x1x128x64xf32, #tpu.memory_space<vmem>> -> memref<128x64xf32, #tpu.memory_space<vmem>>
      %dma_start3A_483 = arith.constant 0 : i32
      %dma_start3A_484 = tpu.memref_slice %arg4[%add3A_476, %dma_start3A_483] : memref<327680x64xf32, #tpu.memory_space<hbm>> -> memref<128x64xf32, #tpu.memory_space<hbm>>
      %dma_start3A_485 = arith.constant 0 : i32
      %dma_start3A_486 = tpu.memref_slice %arg4[%add3A_476, %dma_start3A_485] : memref<327680x64xf32, #tpu.memory_space<hbm>> -> memref<128x64xf32, #tpu.memory_space<hbm>>
      %dma_start3A_487 = arith.constant 0 : i32
      %dma_start3A_488 = arith.constant 0 : i32
      %dma_start3A_489 = tpu.memref_slice %arg6[%dma_start3A_477, %dma_start3A_478, %dma_start3A_487, %dma_start3A_488] : memref<2x5x128x64xf32, #tpu.memory_space<vmem>> -> memref<1x1x128x64xf32, #tpu.memory_space<vmem>>
      %dma_start3A_490 = tpu.memref_squeeze %dma_start3A_489 : memref<1x1x128x64xf32, #tpu.memory_space<vmem>> -> memref<128x64xf32, #tpu.memory_space<vmem>>
      tpu.enqueue_dma source(%dma_start3A_490 : memref<128x64xf32, #tpu.memory_space<vmem>>) target(%dma_start3A_486 : memref<128x64xf32, #tpu.memory_space<hbm>>) target_semaphore(%arg9 : memref<!tpu.dma_semaphore, #tpu.memory_space<semaphore_mem>>)
      %gt3A_491 = arith.constant 0 : i32
      %gt3A_492 = arith.cmpi sgt, %add3A_323, %gt3A_491 : i32
      %convert_element_type3A_493 = arith.extui %gt3A_492 : i1 to i32
      %cond3A_494 = arith.constant 0 : i32
      %cond3A_495 = arith.cmpi ne, %convert_element_type3A_493, %cond3A_494 : i32
      scf.if %cond3A_495 {
        %dma_wait3A_503 = arith.constant 0 : i32
        %dma_wait3A_504 = arith.constant 0 : i32
        %dma_wait3A_505 = arith.constant 0 : i32
        %dma_wait3A_506 = arith.constant 0 : i32
        %dma_wait3A_507 = tpu.memref_slice %arg6[%dma_wait3A_503, %dma_wait3A_504, %dma_wait3A_505, %dma_wait3A_506] : memref<2x5x128x64xf32, #tpu.memory_space<vmem>> -> memref<1x1x128x64xf32, #tpu.memory_space<vmem>>
        %dma_wait3A_508 = tpu.memref_squeeze %dma_wait3A_507 : memref<1x1x128x64xf32, #tpu.memory_space<vmem>> -> memref<128x64xf32, #tpu.memory_space<vmem>>
        %dma_wait3A_509 = arith.constant 0 : i32
        %dma_wait3A_510 = tpu.memref_slice %arg4[%mul3A_2, %dma_wait3A_509] : memref<327680x64xf32, #tpu.memory_space<hbm>> -> memref<128x64xf32, #tpu.memory_space<hbm>>
        %dma_wait3A_511 = arith.constant 0 : i32
        %dma_wait3A_512 = tpu.memref_slice %arg4[%mul3A_2, %dma_wait3A_511] : memref<327680x64xf32, #tpu.memory_space<hbm>> -> memref<128x64xf32, #tpu.memory_space<hbm>>
        %dma_wait3A_513 = arith.constant 0 : i32
        %dma_wait3A_514 = arith.constant 0 : i32
        %dma_wait3A_515 = tpu.memref_slice %arg6[%dma_wait3A_503, %dma_wait3A_504, %dma_wait3A_513, %dma_wait3A_514] : memref<2x5x128x64xf32, #tpu.memory_space<vmem>> -> memref<1x1x128x64xf32, #tpu.memory_space<vmem>>
        %dma_wait3A_516 = tpu.memref_squeeze %dma_wait3A_515 : memref<1x1x128x64xf32, #tpu.memory_space<vmem>> -> memref<128x64xf32, #tpu.memory_space<vmem>>
        tpu.wait_dma2 semaphore(%arg8 : memref<!tpu.dma_semaphore, #tpu.memory_space<semaphore_mem>>) src(%dma_wait3A_516 : memref<128x64xf32, #tpu.memory_space<vmem>>) dst(%dma_wait3A_512 : memref<128x64xf32, #tpu.memory_space<hbm>>)
        %dma_wait3A_517 = arith.constant 0 : i32
        %dma_wait3A_518 = arith.constant 1 : i32
        %dma_wait3A_519 = arith.constant 0 : i32
        %dma_wait3A_520 = arith.constant 0 : i32
        %dma_wait3A_521 = tpu.memref_slice %arg6[%dma_wait3A_517, %dma_wait3A_518, %dma_wait3A_519, %dma_wait3A_520] : memref<2x5x128x64xf32, #tpu.memory_space<vmem>> -> memref<1x1x128x64xf32, #tpu.memory_space<vmem>>
        %dma_wait3A_522 = tpu.memref_squeeze %dma_wait3A_521 : memref<1x1x128x64xf32, #tpu.memory_space<vmem>> -> memref<128x64xf32, #tpu.memory_space<vmem>>
        %dma_wait3A_523 = arith.constant 0 : i32
        %dma_wait3A_524 = tpu.memref_slice %arg4[%mul3A_2, %dma_wait3A_523] : memref<327680x64xf32, #tpu.memory_space<hbm>> -> memref<128x64xf32, #tpu.memory_space<hbm>>
        %dma_wait3A_525 = arith.constant 0 : i32
        %dma_wait3A_526 = tpu.memref_slice %arg4[%mul3A_2, %dma_wait3A_525] : memref<327680x64xf32, #tpu.memory_space<hbm>> -> memref<128x64xf32, #tpu.memory_space<hbm>>
        %dma_wait3A_527 = arith.constant 0 : i32
        %dma_wait3A_528 = arith.constant 0 : i32
        %dma_wait3A_529 = tpu.memref_slice %arg6[%dma_wait3A_517, %dma_wait3A_518, %dma_wait3A_527, %dma_wait3A_528] : memref<2x5x128x64xf32, #tpu.memory_space<vmem>> -> memref<1x1x128x64xf32, #tpu.memory_space<vmem>>
        %dma_wait3A_530 = tpu.memref_squeeze %dma_wait3A_529 : memref<1x1x128x64xf32, #tpu.memory_space<vmem>> -> memref<128x64xf32, #tpu.memory_space<vmem>>
        tpu.wait_dma2 semaphore(%arg8 : memref<!tpu.dma_semaphore, #tpu.memory_space<semaphore_mem>>) src(%dma_wait3A_530 : memref<128x64xf32, #tpu.memory_space<vmem>>) dst(%dma_wait3A_526 : memref<128x64xf32, #tpu.memory_space<hbm>>)
        %dma_wait3A_531 = arith.constant 0 : i32
        %dma_wait3A_532 = arith.constant 2 : i32
        %dma_wait3A_533 = arith.constant 0 : i32
        %dma_wait3A_534 = arith.constant 0 : i32
        %dma_wait3A_535 = tpu.memref_slice %arg6[%dma_wait3A_531, %dma_wait3A_532, %dma_wait3A_533, %dma_wait3A_534] : memref<2x5x128x64xf32, #tpu.memory_space<vmem>> -> memref<1x1x128x64xf32, #tpu.memory_space<vmem>>
        %dma_wait3A_536 = tpu.memref_squeeze %dma_wait3A_535 : memref<1x1x128x64xf32, #tpu.memory_space<vmem>> -> memref<128x64xf32, #tpu.memory_space<vmem>>
        %dma_wait3A_537 = arith.constant 0 : i32
        %dma_wait3A_538 = tpu.memref_slice %arg4[%mul3A_2, %dma_wait3A_537] : memref<327680x64xf32, #tpu.memory_space<hbm>> -> memref<128x64xf32, #tpu.memory_space<hbm>>
        %dma_wait3A_539 = arith.constant 0 : i32
        %dma_wait3A_540 = tpu.memref_slice %arg4[%mul3A_2, %dma_wait3A_539] : memref<327680x64xf32, #tpu.memory_space<hbm>> -> memref<128x64xf32, #tpu.memory_space<hbm>>
        %dma_wait3A_541 = arith.constant 0 : i32
        %dma_wait3A_542 = arith.constant 0 : i32
        %dma_wait3A_543 = tpu.memref_slice %arg6[%dma_wait3A_531, %dma_wait3A_532, %dma_wait3A_541, %dma_wait3A_542] : memref<2x5x128x64xf32, #tpu.memory_space<vmem>> -> memref<1x1x128x64xf32, #tpu.memory_space<vmem>>
        %dma_wait3A_544 = tpu.memref_squeeze %dma_wait3A_543 : memref<1x1x128x64xf32, #tpu.memory_space<vmem>> -> memref<128x64xf32, #tpu.memory_space<vmem>>
        tpu.wait_dma2 semaphore(%arg8 : memref<!tpu.dma_semaphore, #tpu.memory_space<semaphore_mem>>) src(%dma_wait3A_544 : memref<128x64xf32, #tpu.memory_space<vmem>>) dst(%dma_wait3A_540 : memref<128x64xf32, #tpu.memory_space<hbm>>)
        %dma_wait3A_545 = arith.constant 0 : i32
        %dma_wait3A_546 = arith.constant 3 : i32
        %dma_wait3A_547 = arith.constant 0 : i32
        %dma_wait3A_548 = arith.constant 0 : i32
        %dma_wait3A_549 = tpu.memref_slice %arg6[%dma_wait3A_545, %dma_wait3A_546, %dma_wait3A_547, %dma_wait3A_548] : memref<2x5x128x64xf32, #tpu.memory_space<vmem>> -> memref<1x1x128x64xf32, #tpu.memory_space<vmem>>
        %dma_wait3A_550 = tpu.memref_squeeze %dma_wait3A_549 : memref<1x1x128x64xf32, #tpu.memory_space<vmem>> -> memref<128x64xf32, #tpu.memory_space<vmem>>
        %dma_wait3A_551 = arith.constant 0 : i32
        %dma_wait3A_552 = tpu.memref_slice %arg4[%mul3A_2, %dma_wait3A_551] : memref<327680x64xf32, #tpu.memory_space<hbm>> -> memref<128x64xf32, #tpu.memory_space<hbm>>
        %dma_wait3A_553 = arith.constant 0 : i32
        %dma_wait3A_554 = tpu.memref_slice %arg4[%mul3A_2, %dma_wait3A_553] : memref<327680x64xf32, #tpu.memory_space<hbm>> -> memref<128x64xf32, #tpu.memory_space<hbm>>
        %dma_wait3A_555 = arith.constant 0 : i32
        %dma_wait3A_556 = arith.constant 0 : i32
        %dma_wait3A_557 = tpu.memref_slice %arg6[%dma_wait3A_545, %dma_wait3A_546, %dma_wait3A_555, %dma_wait3A_556] : memref<2x5x128x64xf32, #tpu.memory_space<vmem>> -> memref<1x1x128x64xf32, #tpu.memory_space<vmem>>
        %dma_wait3A_558 = tpu.memref_squeeze %dma_wait3A_557 : memref<1x1x128x64xf32, #tpu.memory_space<vmem>> -> memref<128x64xf32, #tpu.memory_space<vmem>>
        tpu.wait_dma2 semaphore(%arg8 : memref<!tpu.dma_semaphore, #tpu.memory_space<semaphore_mem>>) src(%dma_wait3A_558 : memref<128x64xf32, #tpu.memory_space<vmem>>) dst(%dma_wait3A_554 : memref<128x64xf32, #tpu.memory_space<hbm>>)
        %dma_wait3A_559 = arith.constant 0 : i32
        %dma_wait3A_560 = arith.constant 4 : i32
        %dma_wait3A_561 = arith.constant 0 : i32
        %dma_wait3A_562 = arith.constant 0 : i32
        %dma_wait3A_563 = tpu.memref_slice %arg6[%dma_wait3A_559, %dma_wait3A_560, %dma_wait3A_561, %dma_wait3A_562] : memref<2x5x128x64xf32, #tpu.memory_space<vmem>> -> memref<1x1x128x64xf32, #tpu.memory_space<vmem>>
        %dma_wait3A_564 = tpu.memref_squeeze %dma_wait3A_563 : memref<1x1x128x64xf32, #tpu.memory_space<vmem>> -> memref<128x64xf32, #tpu.memory_space<vmem>>
        %dma_wait3A_565 = arith.constant 0 : i32
        %dma_wait3A_566 = tpu.memref_slice %arg4[%mul3A_2, %dma_wait3A_565] : memref<327680x64xf32, #tpu.memory_space<hbm>> -> memref<128x64xf32, #tpu.memory_space<hbm>>
        %dma_wait3A_567 = arith.constant 0 : i32
        %dma_wait3A_568 = tpu.memref_slice %arg4[%mul3A_2, %dma_wait3A_567] : memref<327680x64xf32, #tpu.memory_space<hbm>> -> memref<128x64xf32, #tpu.memory_space<hbm>>
        %dma_wait3A_569 = arith.constant 0 : i32
        %dma_wait3A_570 = arith.constant 0 : i32
        %dma_wait3A_571 = tpu.memref_slice %arg6[%dma_wait3A_559, %dma_wait3A_560, %dma_wait3A_569, %dma_wait3A_570] : memref<2x5x128x64xf32, #tpu.memory_space<vmem>> -> memref<1x1x128x64xf32, #tpu.memory_space<vmem>>
        %dma_wait3A_572 = tpu.memref_squeeze %dma_wait3A_571 : memref<1x1x128x64xf32, #tpu.memory_space<vmem>> -> memref<128x64xf32, #tpu.memory_space<vmem>>
        tpu.wait_dma2 semaphore(%arg8 : memref<!tpu.dma_semaphore, #tpu.memory_space<semaphore_mem>>) src(%dma_wait3A_572 : memref<128x64xf32, #tpu.memory_space<vmem>>) dst(%dma_wait3A_568 : memref<128x64xf32, #tpu.memory_space<hbm>>)
      } else {
      }
      %add3A_496 = arith.constant 1 : i32
      %add3A_497 = arith.addi %add3A_323, %add3A_496 : i32
      %lt3A_498 = arith.constant 16 : i32
      %lt3A_499 = arith.cmpi slt, %add3A_497, %lt3A_498 : i32
      %convert_element_type3A_500 = arith.extui %lt3A_499 : i1 to i32
      %cond3A_501 = arith.constant 0 : i32
      %cond3A_502 = arith.cmpi ne, %convert_element_type3A_500, %cond3A_501 : i32
      scf.if %cond3A_502 {
        %add3A_503 = arith.constant 1 : i32
        %add3A_504 = arith.addi %add3A_323, %add3A_503 : i32
        %mul3A_505 = arith.constant 5 : i32
        %mul3A_506 = arith.muli %add3A_504, %mul3A_505 : i32
        %add3A_507 = arith.constant 0 : i32
        %add3A_508 = arith.addi %mul3A_506, %add3A_507 : i32
        %dma_start3A_509 = arith.constant 0 : i32
        %dma_start3A_510 = arith.constant 0 : i32
        %dma_start3A_511 = arith.constant 0 : i32
        %dma_start3A_512 = arith.constant 0 : i32
        %dma_start3A_513 = tpu.memref_slice %arg6[%dma_start3A_509, %dma_start3A_510, %dma_start3A_511, %dma_start3A_512] : memref<2x5x128x64xf32, #tpu.memory_space<vmem>> -> memref<1x1x128x64xf32, #tpu.memory_space<vmem>>
        %dma_start3A_514 = tpu.memref_squeeze %dma_start3A_513 : memref<1x1x128x64xf32, #tpu.memory_space<vmem>> -> memref<128x64xf32, #tpu.memory_space<vmem>>
        %dma_start3A_515 = arith.constant 0 : i32
        %dma_start3A_516 = tpu.memref_slice %arg5[%add3A_508, %dma_start3A_515] : memref<80x128xi32, #tpu.memory_space<vmem>> -> memref<1x128xi32, #tpu.memory_space<vmem>>
        %dma_start3A_517 = tpu.memref_squeeze %dma_start3A_516 : memref<1x128xi32, #tpu.memory_space<vmem>> -> memref<128xi32, #tpu.memory_space<vmem>>
        %dma_start3A_518 = arith.constant 0 : i32
        %dma_start3A_519 = arith.constant 0 : i32
        %dma_start3A_520 = tpu.memref_slice %arg2[%dma_start3A_518, %dma_start3A_519] : memref<1000000x64xf32, #tpu.memory_space<hbm>> -> memref<1000000x64xf32, #tpu.memory_space<hbm>>
        tpu.enqueue_indirect_dma source(%dma_start3A_520 : memref<1000000x64xf32, #tpu.memory_space<hbm>>) target(%dma_start3A_514 : memref<128x64xf32, #tpu.memory_space<vmem>>) offsets(%dma_start3A_517 : memref<128xi32, #tpu.memory_space<vmem>>) semaphore(%arg7 : memref<!tpu.dma_semaphore, #tpu.memory_space<semaphore_mem>>)
        %add3A_521 = arith.constant 1 : i32
        %add3A_522 = arith.addi %mul3A_506, %add3A_521 : i32
        %dma_start3A_523 = arith.constant 0 : i32
        %dma_start3A_524 = arith.constant 1 : i32
        %dma_start3A_525 = arith.constant 0 : i32
        %dma_start3A_526 = arith.constant 0 : i32
        %dma_start3A_527 = tpu.memref_slice %arg6[%dma_start3A_523, %dma_start3A_524, %dma_start3A_525, %dma_start3A_526] : memref<2x5x128x64xf32, #tpu.memory_space<vmem>> -> memref<1x1x128x64xf32, #tpu.memory_space<vmem>>
        %dma_start3A_528 = tpu.memref_squeeze %dma_start3A_527 : memref<1x1x128x64xf32, #tpu.memory_space<vmem>> -> memref<128x64xf32, #tpu.memory_space<vmem>>
        %dma_start3A_529 = arith.constant 0 : i32
        %dma_start3A_530 = tpu.memref_slice %arg5[%add3A_522, %dma_start3A_529] : memref<80x128xi32, #tpu.memory_space<vmem>> -> memref<1x128xi32, #tpu.memory_space<vmem>>
        %dma_start3A_531 = tpu.memref_squeeze %dma_start3A_530 : memref<1x128xi32, #tpu.memory_space<vmem>> -> memref<128xi32, #tpu.memory_space<vmem>>
        %dma_start3A_532 = arith.constant 0 : i32
        %dma_start3A_533 = arith.constant 0 : i32
        %dma_start3A_534 = tpu.memref_slice %arg2[%dma_start3A_532, %dma_start3A_533] : memref<1000000x64xf32, #tpu.memory_space<hbm>> -> memref<1000000x64xf32, #tpu.memory_space<hbm>>
        tpu.enqueue_indirect_dma source(%dma_start3A_534 : memref<1000000x64xf32, #tpu.memory_space<hbm>>) target(%dma_start3A_528 : memref<128x64xf32, #tpu.memory_space<vmem>>) offsets(%dma_start3A_531 : memref<128xi32, #tpu.memory_space<vmem>>) semaphore(%arg7 : memref<!tpu.dma_semaphore, #tpu.memory_space<semaphore_mem>>)
        %add3A_535 = arith.constant 2 : i32
        %add3A_536 = arith.addi %mul3A_506, %add3A_535 : i32
        %dma_start3A_537 = arith.constant 0 : i32
        %dma_start3A_538 = arith.constant 2 : i32
        %dma_start3A_539 = arith.constant 0 : i32
        %dma_start3A_540 = arith.constant 0 : i32
        %dma_start3A_541 = tpu.memref_slice %arg6[%dma_start3A_537, %dma_start3A_538, %dma_start3A_539, %dma_start3A_540] : memref<2x5x128x64xf32, #tpu.memory_space<vmem>> -> memref<1x1x128x64xf32, #tpu.memory_space<vmem>>
        %dma_start3A_542 = tpu.memref_squeeze %dma_start3A_541 : memref<1x1x128x64xf32, #tpu.memory_space<vmem>> -> memref<128x64xf32, #tpu.memory_space<vmem>>
        %dma_start3A_543 = arith.constant 0 : i32
        %dma_start3A_544 = tpu.memref_slice %arg5[%add3A_536, %dma_start3A_543] : memref<80x128xi32, #tpu.memory_space<vmem>> -> memref<1x128xi32, #tpu.memory_space<vmem>>
        %dma_start3A_545 = tpu.memref_squeeze %dma_start3A_544 : memref<1x128xi32, #tpu.memory_space<vmem>> -> memref<128xi32, #tpu.memory_space<vmem>>
        %dma_start3A_546 = arith.constant 0 : i32
        %dma_start3A_547 = arith.constant 0 : i32
        %dma_start3A_548 = tpu.memref_slice %arg2[%dma_start3A_546, %dma_start3A_547] : memref<1000000x64xf32, #tpu.memory_space<hbm>> -> memref<1000000x64xf32, #tpu.memory_space<hbm>>
        tpu.enqueue_indirect_dma source(%dma_start3A_548 : memref<1000000x64xf32, #tpu.memory_space<hbm>>) target(%dma_start3A_542 : memref<128x64xf32, #tpu.memory_space<vmem>>) offsets(%dma_start3A_545 : memref<128xi32, #tpu.memory_space<vmem>>) semaphore(%arg7 : memref<!tpu.dma_semaphore, #tpu.memory_space<semaphore_mem>>)
        %add3A_549 = arith.constant 3 : i32
        %add3A_550 = arith.addi %mul3A_506, %add3A_549 : i32
        %dma_start3A_551 = arith.constant 0 : i32
        %dma_start3A_552 = arith.constant 3 : i32
        %dma_start3A_553 = arith.constant 0 : i32
        %dma_start3A_554 = arith.constant 0 : i32
        %dma_start3A_555 = tpu.memref_slice %arg6[%dma_start3A_551, %dma_start3A_552, %dma_start3A_553, %dma_start3A_554] : memref<2x5x128x64xf32, #tpu.memory_space<vmem>> -> memref<1x1x128x64xf32, #tpu.memory_space<vmem>>
        %dma_start3A_556 = tpu.memref_squeeze %dma_start3A_555 : memref<1x1x128x64xf32, #tpu.memory_space<vmem>> -> memref<128x64xf32, #tpu.memory_space<vmem>>
        %dma_start3A_557 = arith.constant 0 : i32
        %dma_start3A_558 = tpu.memref_slice %arg5[%add3A_550, %dma_start3A_557] : memref<80x128xi32, #tpu.memory_space<vmem>> -> memref<1x128xi32, #tpu.memory_space<vmem>>
        %dma_start3A_559 = tpu.memref_squeeze %dma_start3A_558 : memref<1x128xi32, #tpu.memory_space<vmem>> -> memref<128xi32, #tpu.memory_space<vmem>>
        %dma_start3A_560 = arith.constant 0 : i32
        %dma_start3A_561 = arith.constant 0 : i32
        %dma_start3A_562 = tpu.memref_slice %arg2[%dma_start3A_560, %dma_start3A_561] : memref<1000000x64xf32, #tpu.memory_space<hbm>> -> memref<1000000x64xf32, #tpu.memory_space<hbm>>
        tpu.enqueue_indirect_dma source(%dma_start3A_562 : memref<1000000x64xf32, #tpu.memory_space<hbm>>) target(%dma_start3A_556 : memref<128x64xf32, #tpu.memory_space<vmem>>) offsets(%dma_start3A_559 : memref<128xi32, #tpu.memory_space<vmem>>) semaphore(%arg7 : memref<!tpu.dma_semaphore, #tpu.memory_space<semaphore_mem>>)
        %add3A_563 = arith.constant 4 : i32
        %add3A_564 = arith.addi %mul3A_506, %add3A_563 : i32
        %dma_start3A_565 = arith.constant 0 : i32
        %dma_start3A_566 = arith.constant 4 : i32
        %dma_start3A_567 = arith.constant 0 : i32
        %dma_start3A_568 = arith.constant 0 : i32
        %dma_start3A_569 = tpu.memref_slice %arg6[%dma_start3A_565, %dma_start3A_566, %dma_start3A_567, %dma_start3A_568] : memref<2x5x128x64xf32, #tpu.memory_space<vmem>> -> memref<1x1x128x64xf32, #tpu.memory_space<vmem>>
        %dma_start3A_570 = tpu.memref_squeeze %dma_start3A_569 : memref<1x1x128x64xf32, #tpu.memory_space<vmem>> -> memref<128x64xf32, #tpu.memory_space<vmem>>
        %dma_start3A_571 = arith.constant 0 : i32
        %dma_start3A_572 = tpu.memref_slice %arg5[%add3A_564, %dma_start3A_571] : memref<80x128xi32, #tpu.memory_space<vmem>> -> memref<1x128xi32, #tpu.memory_space<vmem>>
        %dma_start3A_573 = tpu.memref_squeeze %dma_start3A_572 : memref<1x128xi32, #tpu.memory_space<vmem>> -> memref<128xi32, #tpu.memory_space<vmem>>
        %dma_start3A_574 = arith.constant 0 : i32
        %dma_start3A_575 = arith.constant 0 : i32
        %dma_start3A_576 = tpu.memref_slice %arg2[%dma_start3A_574, %dma_start3A_575] : memref<1000000x64xf32, #tpu.memory_space<hbm>> -> memref<1000000x64xf32, #tpu.memory_space<hbm>>
        tpu.enqueue_indirect_dma source(%dma_start3A_576 : memref<1000000x64xf32, #tpu.memory_space<hbm>>) target(%dma_start3A_570 : memref<128x64xf32, #tpu.memory_space<vmem>>) offsets(%dma_start3A_573 : memref<128xi32, #tpu.memory_space<vmem>>) semaphore(%arg7 : memref<!tpu.dma_semaphore, #tpu.memory_space<semaphore_mem>>)
      } else {
      }
    }
    %scan3A_70 = arith.constant 8 : i32
    %dma_wait3A = arith.constant 1 : i32
    %dma_wait3A_71 = arith.constant 0 : i32
    %dma_wait3A_72 = arith.constant 0 : i32
    %dma_wait3A_73 = arith.constant 0 : i32
    %dma_wait3A_74 = tpu.memref_slice %arg6[%dma_wait3A, %dma_wait3A_71, %dma_wait3A_72, %dma_wait3A_73] : memref<2x5x128x64xf32, #tpu.memory_space<vmem>> -> memref<1x1x128x64xf32, #tpu.memory_space<vmem>>
    %dma_wait3A_75 = tpu.memref_squeeze %dma_wait3A_74 : memref<1x1x128x64xf32, #tpu.memory_space<vmem>> -> memref<128x64xf32, #tpu.memory_space<vmem>>
    %dma_wait3A_76 = arith.constant 0 : i32
    %dma_wait3A_77 = tpu.memref_slice %arg4[%mul3A_2, %dma_wait3A_76] : memref<327680x64xf32, #tpu.memory_space<hbm>> -> memref<128x64xf32, #tpu.memory_space<hbm>>
    %dma_wait3A_78 = arith.constant 0 : i32
    %dma_wait3A_79 = tpu.memref_slice %arg4[%mul3A_2, %dma_wait3A_78] : memref<327680x64xf32, #tpu.memory_space<hbm>> -> memref<128x64xf32, #tpu.memory_space<hbm>>
    %dma_wait3A_80 = arith.constant 0 : i32
    %dma_wait3A_81 = arith.constant 0 : i32
    %dma_wait3A_82 = tpu.memref_slice %arg6[%dma_wait3A, %dma_wait3A_71, %dma_wait3A_80, %dma_wait3A_81] : memref<2x5x128x64xf32, #tpu.memory_space<vmem>> -> memref<1x1x128x64xf32, #tpu.memory_space<vmem>>
    %dma_wait3A_83 = tpu.memref_squeeze %dma_wait3A_82 : memref<1x1x128x64xf32, #tpu.memory_space<vmem>> -> memref<128x64xf32, #tpu.memory_space<vmem>>
    tpu.wait_dma2 semaphore(%arg9 : memref<!tpu.dma_semaphore, #tpu.memory_space<semaphore_mem>>) src(%dma_wait3A_83 : memref<128x64xf32, #tpu.memory_space<vmem>>) dst(%dma_wait3A_79 : memref<128x64xf32, #tpu.memory_space<hbm>>)
    %dma_wait3A_84 = arith.constant 1 : i32
    %dma_wait3A_85 = arith.constant 1 : i32
    %dma_wait3A_86 = arith.constant 0 : i32
    %dma_wait3A_87 = arith.constant 0 : i32
    %dma_wait3A_88 = tpu.memref_slice %arg6[%dma_wait3A_84, %dma_wait3A_85, %dma_wait3A_86, %dma_wait3A_87] : memref<2x5x128x64xf32, #tpu.memory_space<vmem>> -> memref<1x1x128x64xf32, #tpu.memory_space<vmem>>
    %dma_wait3A_89 = tpu.memref_squeeze %dma_wait3A_88 : memref<1x1x128x64xf32, #tpu.memory_space<vmem>> -> memref<128x64xf32, #tpu.memory_space<vmem>>
    %dma_wait3A_90 = arith.constant 0 : i32
    %dma_wait3A_91 = tpu.memref_slice %arg4[%mul3A_2, %dma_wait3A_90] : memref<327680x64xf32, #tpu.memory_space<hbm>> -> memref<128x64xf32, #tpu.memory_space<hbm>>
    %dma_wait3A_92 = arith.constant 0 : i32
    %dma_wait3A_93 = tpu.memref_slice %arg4[%mul3A_2, %dma_wait3A_92] : memref<327680x64xf32, #tpu.memory_space<hbm>> -> memref<128x64xf32, #tpu.memory_space<hbm>>
    %dma_wait3A_94 = arith.constant 0 : i32
    %dma_wait3A_95 = arith.constant 0 : i32
    %dma_wait3A_96 = tpu.memref_slice %arg6[%dma_wait3A_84, %dma_wait3A_85, %dma_wait3A_94, %dma_wait3A_95] : memref<2x5x128x64xf32, #tpu.memory_space<vmem>> -> memref<1x1x128x64xf32, #tpu.memory_space<vmem>>
    %dma_wait3A_97 = tpu.memref_squeeze %dma_wait3A_96 : memref<1x1x128x64xf32, #tpu.memory_space<vmem>> -> memref<128x64xf32, #tpu.memory_space<vmem>>
    tpu.wait_dma2 semaphore(%arg9 : memref<!tpu.dma_semaphore, #tpu.memory_space<semaphore_mem>>) src(%dma_wait3A_97 : memref<128x64xf32, #tpu.memory_space<vmem>>) dst(%dma_wait3A_93 : memref<128x64xf32, #tpu.memory_space<hbm>>)
    %dma_wait3A_98 = arith.constant 1 : i32
    %dma_wait3A_99 = arith.constant 2 : i32
    %dma_wait3A_100 = arith.constant 0 : i32
    %dma_wait3A_101 = arith.constant 0 : i32
    %dma_wait3A_102 = tpu.memref_slice %arg6[%dma_wait3A_98, %dma_wait3A_99, %dma_wait3A_100, %dma_wait3A_101] : memref<2x5x128x64xf32, #tpu.memory_space<vmem>> -> memref<1x1x128x64xf32, #tpu.memory_space<vmem>>
    %dma_wait3A_103 = tpu.memref_squeeze %dma_wait3A_102 : memref<1x1x128x64xf32, #tpu.memory_space<vmem>> -> memref<128x64xf32, #tpu.memory_space<vmem>>
    %dma_wait3A_104 = arith.constant 0 : i32
    %dma_wait3A_105 = tpu.memref_slice %arg4[%mul3A_2, %dma_wait3A_104] : memref<327680x64xf32, #tpu.memory_space<hbm>> -> memref<128x64xf32, #tpu.memory_space<hbm>>
    %dma_wait3A_106 = arith.constant 0 : i32
    %dma_wait3A_107 = tpu.memref_slice %arg4[%mul3A_2, %dma_wait3A_106] : memref<327680x64xf32, #tpu.memory_space<hbm>> -> memref<128x64xf32, #tpu.memory_space<hbm>>
    %dma_wait3A_108 = arith.constant 0 : i32
    %dma_wait3A_109 = arith.constant 0 : i32
    %dma_wait3A_110 = tpu.memref_slice %arg6[%dma_wait3A_98, %dma_wait3A_99, %dma_wait3A_108, %dma_wait3A_109] : memref<2x5x128x64xf32, #tpu.memory_space<vmem>> -> memref<1x1x128x64xf32, #tpu.memory_space<vmem>>
    %dma_wait3A_111 = tpu.memref_squeeze %dma_wait3A_110 : memref<1x1x128x64xf32, #tpu.memory_space<vmem>> -> memref<128x64xf32, #tpu.memory_space<vmem>>
    tpu.wait_dma2 semaphore(%arg9 : memref<!tpu.dma_semaphore, #tpu.memory_space<semaphore_mem>>) src(%dma_wait3A_111 : memref<128x64xf32, #tpu.memory_space<vmem>>) dst(%dma_wait3A_107 : memref<128x64xf32, #tpu.memory_space<hbm>>)
    %dma_wait3A_112 = arith.constant 1 : i32
    %dma_wait3A_113 = arith.constant 3 : i32
    %dma_wait3A_114 = arith.constant 0 : i32
    %dma_wait3A_115 = arith.constant 0 : i32
    %dma_wait3A_116 = tpu.memref_slice %arg6[%dma_wait3A_112, %dma_wait3A_113, %dma_wait3A_114, %dma_wait3A_115] : memref<2x5x128x64xf32, #tpu.memory_space<vmem>> -> memref<1x1x128x64xf32, #tpu.memory_space<vmem>>
    %dma_wait3A_117 = tpu.memref_squeeze %dma_wait3A_116 : memref<1x1x128x64xf32, #tpu.memory_space<vmem>> -> memref<128x64xf32, #tpu.memory_space<vmem>>
    %dma_wait3A_118 = arith.constant 0 : i32
    %dma_wait3A_119 = tpu.memref_slice %arg4[%mul3A_2, %dma_wait3A_118] : memref<327680x64xf32, #tpu.memory_space<hbm>> -> memref<128x64xf32, #tpu.memory_space<hbm>>
    %dma_wait3A_120 = arith.constant 0 : i32
    %dma_wait3A_121 = tpu.memref_slice %arg4[%mul3A_2, %dma_wait3A_120] : memref<327680x64xf32, #tpu.memory_space<hbm>> -> memref<128x64xf32, #tpu.memory_space<hbm>>
    %dma_wait3A_122 = arith.constant 0 : i32
    %dma_wait3A_123 = arith.constant 0 : i32
    %dma_wait3A_124 = tpu.memref_slice %arg6[%dma_wait3A_112, %dma_wait3A_113, %dma_wait3A_122, %dma_wait3A_123] : memref<2x5x128x64xf32, #tpu.memory_space<vmem>> -> memref<1x1x128x64xf32, #tpu.memory_space<vmem>>
    %dma_wait3A_125 = tpu.memref_squeeze %dma_wait3A_124 : memref<1x1x128x64xf32, #tpu.memory_space<vmem>> -> memref<128x64xf32, #tpu.memory_space<vmem>>
    tpu.wait_dma2 semaphore(%arg9 : memref<!tpu.dma_semaphore, #tpu.memory_space<semaphore_mem>>) src(%dma_wait3A_125 : memref<128x64xf32, #tpu.memory_space<vmem>>) dst(%dma_wait3A_121 : memref<128x64xf32, #tpu.memory_space<hbm>>)
    %dma_wait3A_126 = arith.constant 1 : i32
    %dma_wait3A_127 = arith.constant 4 : i32
    %dma_wait3A_128 = arith.constant 0 : i32
    %dma_wait3A_129 = arith.constant 0 : i32
    %dma_wait3A_130 = tpu.memref_slice %arg6[%dma_wait3A_126, %dma_wait3A_127, %dma_wait3A_128, %dma_wait3A_129] : memref<2x5x128x64xf32, #tpu.memory_space<vmem>> -> memref<1x1x128x64xf32, #tpu.memory_space<vmem>>
    %dma_wait3A_131 = tpu.memref_squeeze %dma_wait3A_130 : memref<1x1x128x64xf32, #tpu.memory_space<vmem>> -> memref<128x64xf32, #tpu.memory_space<vmem>>
    %dma_wait3A_132 = arith.constant 0 : i32
    %dma_wait3A_133 = tpu.memref_slice %arg4[%mul3A_2, %dma_wait3A_132] : memref<327680x64xf32, #tpu.memory_space<hbm>> -> memref<128x64xf32, #tpu.memory_space<hbm>>
    %dma_wait3A_134 = arith.constant 0 : i32
    %dma_wait3A_135 = tpu.memref_slice %arg4[%mul3A_2, %dma_wait3A_134] : memref<327680x64xf32, #tpu.memory_space<hbm>> -> memref<128x64xf32, #tpu.memory_space<hbm>>
    %dma_wait3A_136 = arith.constant 0 : i32
    %dma_wait3A_137 = arith.constant 0 : i32
    %dma_wait3A_138 = tpu.memref_slice %arg6[%dma_wait3A_126, %dma_wait3A_127, %dma_wait3A_136, %dma_wait3A_137] : memref<2x5x128x64xf32, #tpu.memory_space<vmem>> -> memref<1x1x128x64xf32, #tpu.memory_space<vmem>>
    %dma_wait3A_139 = tpu.memref_squeeze %dma_wait3A_138 : memref<1x1x128x64xf32, #tpu.memory_space<vmem>> -> memref<128x64xf32, #tpu.memory_space<vmem>>
    tpu.wait_dma2 semaphore(%arg9 : memref<!tpu.dma_semaphore, #tpu.memory_space<semaphore_mem>>) src(%dma_wait3A_139 : memref<128x64xf32, #tpu.memory_space<vmem>>) dst(%dma_wait3A_135 : memref<128x64xf32, #tpu.memory_space<hbm>>)
    return
  }
}

</mosaic_0001>

<sc_bundles>
// kernel: _gather.3.cloned.1.call-start
scs
__scs_entry_jumppad:
0x0: {  	(pc) =	sbr.rel $0x88, $3  }
0x1: {  	(tag) =	ssettag $0x0;
	lr =	simm.s32 $0x1  }
0x2: {  	[smem:$0x3F9F] =	sst lr;
	_ =	strace $0xD0000000  }
0x3: {  	_ = 	snop  }
0x4: {  	_ = 	snop  }
0x5: {  	_ = 	snop  }
0x6: {  	_ = 	snop  }
0x7: {  	_ = 	snop  }
__scs_overlays_trampoline_lowered:
0x8: {  	[smem:$0x3FAE] =	sst s0  }
0x9: {  	[smem:$0x3FAF] =	sst s1  }
0xa: {  	[smem:$0x3FB0] =	sst s2  }
0xb: {  	[smem:$0x3FB1] =	sst s3  }
0xc: {  	[smem:$0x3FB2] =	sst s4  }
0xd: {  	[smem:$0x3FB3] =	sst s5  }
0xe: {  	[smem:$0x3FB4] =	sst s6  }
0xf: {  	[smem:$0x3FB5] =	sst s7  }
0x10: {  	[smem:$0x3FB6] =	sst s8  }
0x11: {  	[smem:$0x3FB7] =	sst s9;
	s0 =	simm.s32 @!p0 $0x0  }
0x12: {  	s1 =	sld [smem:$0x3F9D];
	s0 =	simm.s32 @p0 $0x1  }
0x13: {  	[smem:$0x3FB8] =	sst s0;
	s0 =	simm.s32 @!p1 $0x0  }
0x14: {  	s2 =	sld [smem:$0x3F9C];
	s0 =	simm.s32 @p1 $0x1  }
0x15: {  	[smem:$0x3FB9] =	sst s0;
	s0 =	simm.s32 @!p2 $0x0  }
0x16: {  	s3 =	sld [smem:$0x3FDB];
	s0 =	simm.s32 @p2 $0x1  }
0x17: {  	s4 =	simm.s32 $0x1BF5;
	[smem:$0x3FBB] =	sst s0  }
0x18: {  	s0 =	sld [smem:$0x3F9E];
	_ =	swait.ge [sflag:s4], $0x0  }
0x19: {  	s7 =	sld [smem:$0x3F9F]  }
0x1a: {  	s8 =	sadd.s32 $0xFFFFE003, lr  }
0x1b: {  	s9 =	sadd.s32 $0xFFFFFEF7, lr;
	s5 =	simm.s32 $0xFFFFFFFF;
	p2 =	slt.u32 s8, $0xFFFFF086  }
0x1c: {  	p1 =	slt.u32 s9, $0xF7A;
	s5 =	simm.s32 @!p2 $0x0  }
0x1d: {  	s5 =	simm.s32 @p1 $0x1;
	p0 =	seq.s32 s7, s2  }
0x1e: {  	s7 =	smul.u32 @!p0 $0xF7A, s2;
	p2 =	seq.s32 @!p0 s5, $0x0  }
0x1f: {  	s9 =	smul.u32 $0xF7A, s1;
	s8 =	simm.s32 @!p0 $0x1BF5;
	p2 =	por !p2, p0  }
0x20: {  	[sflag:s8] =	ssyncset.s32 @!p0 $0xFFFFF086;
	s6 =	sadd.s32 @!p0 s3, s7;
	s7 =	simm.s32 @!p0 $0x108  }
0x21: {  	s3 =	sadd.s32 s3, s9;
	s6 =	sadd.s32 @!p0 $0x88, s6;
	s7 =	simm.s32 @p2 $0x1082  }
0x22: {  	[simem:s7], [sflag:s8] =	dma.local @!p0 [hbm:s6], $0xF7A  }
0x23: {  	s9 =	sor.u32 $0xD0000000, s2;
	s6 =	simm.s32 $0x108;
	_ =	swait.ge @!p0 [sflag:s8], $0x0  }
0x24: {  	s3 =	sadd.s32 $0x88, s3;
	s6 =	simm.s32 @!p1 $0x1082;
	[sflag:s4] =	ssyncset.s32 $0xFFFFF086  }
0x25: {  	[simem:s6], [sflag:s4] =	dma.local [hbm:s3], $0xF7A  }
0x26: {  	[smem:$0x3F9F] =	sst s1;
	(tag) =	ssettag s2;
	_ =	strace s9  }
0x27: {  	s1 =	sld [smem:$0x3FAF]  }
0x28: {  	s2 =	sld [smem:$0x3FB0]  }
0x29: {  	s4 =	sld [smem:$0x3FB2]  }
0x2a: {  	p0 =	seq.s32 s5, $0x0;
	s5 =	sld [smem:$0x3FB3]  }
0x2b: {  	s6 =	sld [smem:$0x3FB4]  }
0x2c: {  	s7 =	sld [smem:$0x3FB5]  }
0x2d: {  	s3 =	simm.s32 $0x108;
	s8 =	sld [smem:$0x3FB6]  }
0x2e: {  	s3 =	simm.s32 @!p0 $0x1082;
	s9 =	sld [smem:$0x3FB7]  }
0x2f: {  	lr =	sadd.s32 s0, s3;
	s0 =	sld [smem:$0x3FAE]  }
0x30: {  	s3 =	sld [smem:$0x3FB1]  }
0x31: {  	[smem:$0x3FBA] =	sst s10  }
0x32: {  	s10 =	sld [smem:$0x3FB8];
	_ =	sdelay $0x3  }
0x33: {  	p0 =	seq.s32 s10, $0x1;
	s10 =	sld [smem:$0x3FBA];
	_ =	sdelay $0x3  }
0x34: {  	[smem:$0x3FBA] =	sst s10  }
0x35: {  	s10 =	sld [smem:$0x3FB9];
	_ =	sdelay $0x3  }
0x36: {  	p1 =	seq.s32 s10, $0x1;
	s10 =	sld [smem:$0x3FBA];
	_ =	sdelay $0x3  }
0x37: {  	[smem:$0x3FBA] =	sst s10  }
0x38: {  	s10 =	sld [smem:$0x3FBB]  }
0x39: {  	_ = 	snop;
	(pc) =	sbr.ind lr, $3  }
0x3a: {  	_ = 	snop  }
0x3b: {  	_ = 	snop  }
0x3c: {  	p2 =	seq.s32 s10, $0x1;
	s10 =	sld [smem:$0x3FBA]  }
0x3d: {  	_ =	shalt  }
0x3e: {  	_ =	shalt  }
0x3f: {  	_ =	shalt  }
0x40: {  	_ =	shalt  }
0x41: {  	_ =	shalt  }
0x42: {  	_ =	shalt  }
0x43: {  	_ =	shalt  }
0x44: {  	_ =	shalt  }
0x45: {  	_ =	shalt  }
0x46: {  	_ =	shalt  }
0x47: {  	_ =	shalt  }
0x48: {  	_ =	shalt  }
0x49: {  	_ =	shalt  }
0x4a: {  	_ =	shalt  }
0x4b: {  	_ =	shalt  }
0x4c: {  	_ =	shalt  }
0x4d: {  	_ =	shalt  }
0x4e: {  	_ =	shalt  }
0x4f: {  	_ =	shalt  }
0x50: {  	_ =	shalt  }
0x51: {  	_ =	shalt  }
0x52: {  	_ =	shalt  }
0x53: {  	_ =	shalt  }
0x54: {  	_ =	shalt  }
0x55: {  	_ =	shalt  }
0x56: {  	_ =	shalt  }
0x57: {  	_ =	shalt  }
0x58: {  	_ =	shalt  }
0x59: {  	_ =	shalt  }
0x5a: {  	_ =	shalt  }
0x5b: {  	_ =	shalt  }
0x5c: {  	_ =	shalt  }
0x5d: {  	_ =	shalt  }
0x5e: {  	_ =	shalt  }
0x5f: {  	_ =	shalt  }
0x60: {  	_ =	shalt  }
0x61: {  	_ =	shalt  }
0x62: {  	_ =	shalt  }
0x63: {  	_ =	shalt  }
0x64: {  	_ =	shalt  }
0x65: {  	_ =	shalt  }
0x66: {  	_ =	shalt  }
0x67: {  	_ =	shalt  }
0x68: {  	_ =	shalt  }
0x69: {  	_ =	shalt  }
0x6a: {  	_ =	shalt  }
0x6b: {  	_ =	shalt  }
0x6c: {  	_ =	shalt  }
0x6d: {  	_ =	shalt  }
0x6e: {  	_ =	shalt  }
0x6f: {  	_ =	shalt  }
0x70: {  	_ =	shalt  }
0x71: {  	_ =	shalt  }
0x72: {  	_ =	shalt  }
0x73: {  	_ =	shalt  }
0x74: {  	_ =	shalt  }
0x75: {  	_ =	shalt  }
0x76: {  	_ =	shalt  }
0x77: {  	_ =	shalt  }
0x78: {  	_ =	shalt  }
0x79: {  	_ =	shalt  }
0x7a: {  	_ =	shalt  }
0x7b: {  	_ =	shalt  }
0x7c: {  	_ =	shalt  }
0x7d: {  	_ =	shalt  }
0x7e: {  	_ =	shalt  }
0x7f: {  	_ =	shalt  }
0x80: {  	_ =	shalt  }
0x81: {  	_ =	shalt  }
0x82: {  	_ =	shalt  }
0x83: {  	_ =	shalt  }
0x84: {  	_ =	shalt  }
0x85: {  	_ =	shalt  }
0x86: {  	_ =	shalt  }
0x87: {  	_ =	shalt  }
.Lfunc_end0:
.L_simem_size_0:
called_computation.1_lowered:
.L_overlay_start_0:
0x88: {  	s2 =	sld [smem:$0x3FD9]  }
0x89: {  	s3 =	sld [smem:$0x3FFE];
	_ =	sdelay $0x1  }
0x8a: {  	s1 =	srdreg.scid  }
0x8b: {  	s0 =	sand.u32 $0x1, s1  }
0x8c: {  	s17 =	sshll.u32 s0, $0xA;
	s2 =	sadd.s32 s3, s2  }
0x8d: {  	s2 =	sadd.s32 s2, s17  }
0x8e: {  	[smem:$0x3FC6] =	sst s2  }
0x8f: {  	_ = 	snop  }
0x90: {  	s2 =	sld [smem:$0x3FC8]  }
0x91: {  	s18 =	sld [smem:$0x3FD0];
	(tm) =	ssettm $0x1  }
0x92: {  	s4 =	sld [smem:$0x3FFB];
	_ =	sdelay $0x3  }
0x93: {  	_ =	strace s4  }
0x94: {  	s4 =	sld [smem:$0x3FFC];
	_ =	sdelay $0x3  }
0x95: {  	_ =	strace s4  }
0x96: {  	s4 =	sld [smem:$0x3FFD];
	_ =	sdelay $0x3  }
0x97: {  	_ =	strace s4  }
0x98: {  	_ =	strace $0x8FFFFFFF  }
0x99: {  	s19 =	sld [smem:$0x3FDB];
	_ =	sdelay $0x1  }
0x9a: {  	s5 =	simm.s32 $_scs_section_size  }
0x9b: {  	s6 =	simm.s32 $_size__tile_overlayer_lowered;
	s7 =	simm.s32 $_tile_overlayer_lowered  }
0x9c: {  	s22 =	simm.s32 $0x1BFF;
	s21 =	sshll.u32 s7, $0x1;
	s4 =	sadd.s32 s5, s19  }
0x9d: {  	s8 =	simm.s32 $0x0;
	s20 =	sshll.u32 s6, $0x1;
	s6 =	sadd.s32 s21, s4  }
0x9e: {  	[timem:s8], [sflag:s22] =	dma.local [hbm:s6], s20  }
0x9f: {  	_ =	swait.ge [sflag:s22], s20  }
0xa0: {  	s5 =	ssub.s32 $0x0, s20;
	[sflag:s22] =	ssyncset.done $0x0  }
0xa1: {  	[sflag:s22] =	ssyncadd.s32 s5;
	_ =	sdelay $0x1  }
0xa2: {  	s23 =	simm.s32 $0x1B8B  }
0xa3: {  	_ =	swait.ge [sflag:s23], $0x1  }
0xa4: {  	[sflag:s23] =	ssyncset.done $0x0  }
0xa5: {  	s25 =	simm.s32 $0x1B8E;
	s24 =	sld [smem:$0x3FFE];
	[sflag:s23] =	ssyncadd.s32 $0xFFFFFFFF  }
0xa6: {  	s26 =	simm.s32 $execute0_lowered;
	[smem:$0x3FD2] =	sst s25  }
0xa7: {  	s6 =	sshll.u32 s26, $0x1;
	_ =	strace $0x80000046;
	[dreg:$0x1] =	wrdreg $0xFFFFFFFF  }
0xa8: {  	s28 =	simm.s32 $_size_execute0_lowered;
	s4 =	sadd.s32 s4, s6;
	[dreg:$0x0] =	wrdreg $0x0  }
0xa9: {  	s6 =	sshll.u32 s28, $0x1;
	[dreg:$0x2] =	wrdreg s4  }
0xaa: {  	[dreg:$0x3] =	wrdreg s6  }
0xab: {  	[dreg:$0x4] =	wrdreg $0xC0  }
0xac: {  	_ =	task [dreg:s8], $0x5FFFF  }
0xad: {  	[dreg:$0x1] =	wrdreg $0xFFFFFFFF  }
0xae: {  	[dreg:$0x0] =	wrdreg $0x60  }
0xaf: {  	[dreg:$0x2] =	wrdreg s24  }
0xb0: {  	[dreg:$0x3] =	wrdreg s2  }
0xb1: {  	[dreg:$0x4] =	wrdreg s18  }
0xb2: {  	[dreg:$0x5] =	wrdreg $0x9  }
0xb3: {  	_ =	task.clear_ibuf [dreg:s8], $0x6FFFF;
	_ =	strace $0x90000046  }
0xb4: {  	s29 =	simm.s32 $0x9;
	_ =	strace $0x80000048  }
0xb5: {  	_ =	swait.ge [sflag:s29], $0x1  }
0xb6: {  	[sflag:s29] =	ssyncadd.s32 $0xFFFFFFFF  }
0xb7: {  	_ =	strace $0x90000048  }
0xb8: {  	_ =	sfence  }
0xb9: {  	s30 =	sld [smem:$0x0];
	_ =	sdelay $0x2  }
0xba: {  	s31 =	sshll.u32 s1, $0xD;
	s1 =	sshrl.u32 s1, $0x2  }
0xbb: {  	s3 =	sand.u32 $0x4000, s31;
	s1 =	sadd.s32 s1, s30  }
0xbc: {  	s0 =	sor.u32 s3, s0;
	s1 =	sshll.u32 s1, $0x11  }
0xbd: {  	s0 =	sor.u32 s1, s0  }
0xbe: {  	s0 =	sadd.s32 $0x8F2B, s0  }
0xbf: {  	[sflag:s0] =	ssyncadd.remote.s32 $0x1  }
0xc0: {  	_ =	sfence.sel $0xFFFF  }
0xc1: {  	[dreg:$0x0] =	wrdreg $0xFFFFFFFF;
	(pc) =	sbr.abs _section_cstart, $3  }
0xc2: {  	[dreg:$0x1] =	wrdreg $0xFFFFFFFF  }
0xc3: {  	_ =	task.clear_ibuf [dreg:s8], $0x2FFFF;
	_ =	strace $0x9FFFFFFF  }
0xc4: {  	(tm) =	ssettm $0x7FFFFFFF  }
0xc5: {  	_ =	shalt  }
tec
execute0_lowered:
.L_overlay_start_1:
0x0: {  	(tag) =	ssettag $0x1  }
0x1: {  	s0 =	rddreg [dreg:$0x0];
	s1 =	srdreg.scid  }
0x2: {  	s10 =	stileid.u32;
	s2 =	rddreg [dreg:$0x1]  }
0x3: {  	s18 =	simm.s32 $0x80;
	s19 =	simm.s32 $0x2800;
	s20 =	simm.s32 $0x4800  }
0x4: {  	s22 =	simm.s32 $0x6800;
	s28 =	simm.s32 $0x1;
	s29 =	simm.s32 $0xC800  }
0x5: {  	s30 =	simm.s32 $0xE800;
	s31 =	simm.s32 $0x10800;
	s7 =	smul.u32 $0x5000, s10  }
0x6: {  	s21 =	simm.s32 $0x3;
	s1 =	sand.u32 $0x1, s1;
	s11 =	smul.u32 $0x28000, s10  }
0x7: {  	s23 =	simm.s32 $0x0;
	s3 =	sshll.u32 s10, $0x1;
	s9 =	smul.u32 $0x2800, s1  }
0x8: {  	s3 =	sor.u32 s1, s3;
	s6 =	ssub.s32 $0x2, s1;
	s1 =	smul.u32 $0x14000, s1  }
0x9: {  	s5 =	smul.u32 $0x2800, s3;
	s3 =	simm.s32 $0x0;
	s8 =	sshrl.u32 s6, $0x1  }
0xa: {  	s4 =	sadd.s32 $0xF42C00, s0;
	[smem:$0x7FF] =	sst s3;
	s24 =	ssub.s32 s6, s8  }
0xb: {  	s25 =	sadd.s32 s9, s7;
	s11 =	sadd.s32 s1, s11;
	s1 =	simm.s32 $0x12800  }
0xc: {  	_ =	strace $0x80000047;
	s5 =	sshrl.u32 s5, $0x3;
	s26 =	sshll.u32 s25, $0x3  }
0xd: {  	s0 =	smax.u32 s24, $0x1;
	s24 =	simm.s32 $0x8800;
	s2 =	sadd.s32 s2, s5  }
.Ltmp0:
0xe: {  	[dreg:$0x5] =	wrdreg s0;
	s7 =	sor.u32 $0x1000, s26;
	(pc) =	sbr.rel .LBB2_1-.Ltmp0, $4  }
0xf: {  	s8 =	sor.u32 $0xC00, s26;
	s9 =	sor.u32 $0x800, s26;
	s10 =	sor.u32 $0x400, s26  }
0x10: {  	s12 =	sor.u32 $0x2400, s26;
	s13 =	sor.u32 $0x2000, s26;
	s14 =	sor.u32 $0x1C00, s26  }
0x11: {  	s15 =	sor.u32 $0x1800, s26;
	s16 =	sor.u32 $0x1400, s26;
	s26 =	simm.s32 $0xA800  }
0x12: {  	s0 =	simm.s32 $0x14800;
	[dreg:$0x4] =	wrdreg s2;
	s2 =	simm.s32 $0x2  }
.LBB2_4:
0x13: {  	_ =	swait.ge [sflag:s21], $0x2000  }
0x14: {  	[sflag:s21] =	ssyncset.done $0x0  }
0x15: {  	[sflag:s21] =	ssyncadd.s32 $0xFFFFE000  }
0x16: {  	_ =	swait.ge [sflag:s21], $0x2000  }
0x17: {  	[sflag:s21] =	ssyncset.done $0x0  }
0x18: {  	[sflag:s21] =	ssyncadd.s32 $0xFFFFE000  }
0x19: {  	_ =	swait.ge [sflag:s21], $0x2000  }
0x1a: {  	[sflag:s21] =	ssyncset.done $0x0  }
0x1b: {  	[sflag:s21] =	ssyncadd.s32 $0xFFFFE000  }
0x1c: {  	_ =	swait.ge [sflag:s21], $0x2000  }
0x1d: {  	[sflag:s21] =	ssyncset.done $0x0  }
0x1e: {  	[sflag:s21] =	ssyncadd.s32 $0xFFFFE000  }
0x1f: {  	_ =	swait.ge [sflag:s21], $0x2000  }
0x20: {  	s23 =	sadd.s32 $0x1, s23;
	s5 =	rddreg [dreg:$0x5]  }
0x21: {  	p0 =	sne.s32 s23, s5  }
.Ltmp1:
0x22: {  	_ = 	snop;
	(pc) =	sbr.rel @!p0 .LBB2_5-.Ltmp1, $3  }
0x23: {  	_ =	sdelay $0x1  }
0x24: {  	[sflag:s21] =	ssyncset.done $0x0  }
0x25: {  	[sflag:s21] =	ssyncadd.s32 $0xFFFFE000  }
.LBB2_1:
0x26: {  	s5 =	rddreg [dreg:$0x4];
	s25 =	simm.s32 $0x4  }
0x27: {  	[tilespmem:s3], [sflag:$0x4] =	stream.linear.gather [hbm4b:s5+s3], $0x2800, $0x38;
	[tilespmem:$0x16800] =	vst v63  }
0x28: {  	_ =	swait.ge [sflag:s25], $0x2800  }
0x29: {  	[sflag:s25] =	ssyncset.done $0x0  }
0x2a: {  	[sflag:s25] =	ssyncadd.s32 $0xFFFFD800  }
0x2b: {  	[tilespmem:s19], [sflag:$0x1] =	stream.indirect.gather [hbm4b:s4+s18], $0x40, s3, s18, $0xb8;
	[tilespmem:$0x16800] =	vst v63  }
0x2c: {  	_ = 	snop  }
0x2d: {  	[tilespmem:s20], [sflag:$0x1] =	stream.indirect.gather [hbm4b:s4+s18], $0x40, s18, s18, $0xb8;
	[tilespmem:$0x16800] =	vst v63  }
0x2e: {  	s6 =	simm.s32 $0x100  }
0x2f: {  	[tilespmem:s22], [sflag:$0x1] =	stream.indirect.gather [hbm4b:s4+s18], $0x40, s6, s18, $0xb8;
	[tilespmem:$0x16800] =	vst v63  }
0x30: {  	s17 =	simm.s32 $0x180  }
0x31: {  	[tilespmem:s24], [sflag:$0x1] =	stream.indirect.gather [hbm4b:s4+s18], $0x40, s17, s18, $0xb8;
	[tilespmem:$0x16800] =	vst v63  }
0x32: {  	s25 =	simm.s32 $0x200  }
0x33: {  	[tilespmem:s26], [sflag:$0x1] =	stream.indirect.gather [hbm4b:s4+s18], $0x40, s25, s18, $0xb8;
	[tilespmem:$0x16800] =	vst v63  }
0x34: {  	s5 =	simm.s32 $0x0;
	s25 =	rddreg [dreg:$0x2]  }
.LBB2_2:
0x35: {  	_ =	swait.ge [sflag:s28], $0x2000  }
0x36: {  	[sflag:s28] =	ssyncset.done $0x0  }
0x37: {  	[sflag:s28] =	ssyncadd.s32 $0xFFFFE000  }
0x38: {  	_ =	swait.ge [sflag:s28], $0x2000  }
0x39: {  	[sflag:s28] =	ssyncset.done $0x0  }
0x3a: {  	[sflag:s28] =	ssyncadd.s32 $0xFFFFE000  }
0x3b: {  	_ =	swait.ge [sflag:s28], $0x2000  }
0x3c: {  	[sflag:s28] =	ssyncset.done $0x0  }
0x3d: {  	[sflag:s28] =	ssyncadd.s32 $0xFFFFE000  }
0x3e: {  	_ =	swait.ge [sflag:s28], $0x2000  }
0x3f: {  	[sflag:s28] =	ssyncset.done $0x0  }
0x40: {  	[sflag:s28] =	ssyncadd.s32 $0xFFFFE000  }
0x41: {  	_ =	swait.ge [sflag:s28], $0x2000  }
0x42: {  	[sflag:s28] =	ssyncset.done $0x0  }
0x43: {  	s6 =	sadd.s32 s25, s11;
	[sflag:s28] =	ssyncadd.s32 $0xFFFFE000  }
0x44: {  	[hbm4b:s6+s3] =	stream.linear.scatter [tilespmem:s19], [sflag:$0x2], $0x2000, $0x38;
	[tilespmem:$0x16800] =	vst v63  }
0x45: {  	s17 =	sadd.s32 s25, s10  }
0x46: {  	[hbm4b:s17+s3] =	stream.linear.scatter [tilespmem:s20], [sflag:$0x2], $0x2000, $0x38;
	[tilespmem:$0x16800] =	vst v63  }
0x47: {  	s17 =	sadd.s32 s25, s9  }
0x48: {  	[hbm4b:s17+s3] =	stream.linear.scatter [tilespmem:s22], [sflag:$0x2], $0x2000, $0x38;
	[tilespmem:$0x16800] =	vst v63  }
0x49: {  	s17 =	sadd.s32 s25, s8  }
0x4a: {  	[hbm4b:s17+s3] =	stream.linear.scatter [tilespmem:s24], [sflag:$0x2], $0x2000, $0x38;
	[tilespmem:$0x16800] =	vst v63  }
0x4b: {  	p0 =	seq.s32 s5, $0x0;
	s17 =	sadd.s32 s25, s7  }
0x4c: {  	[hbm4b:s17+s3] =	stream.linear.scatter [tilespmem:s26], [sflag:$0x2], $0x2000, $0x38;
	[tilespmem:$0x16800] =	vst v63  }
0x4d: {  	s17 =	simm.s32 @!p0 $0x3  }
0x4e: {  	_ =	swait.ge @!p0 [sflag:s17], $0x2000  }
0x4f: {  	[sflag:s17] =	ssyncset.done @!p0 $0x0  }
0x50: {  	[sflag:s17] =	ssyncadd.s32 @!p0 $0xFFFFE000  }
0x51: {  	_ =	swait.ge @!p0 [sflag:s17], $0x2000  }
0x52: {  	[sflag:s17] =	ssyncset.done @!p0 $0x0  }
0x53: {  	[sflag:s17] =	ssyncadd.s32 @!p0 $0xFFFFE000  }
0x54: {  	_ =	swait.ge @!p0 [sflag:s17], $0x2000  }
0x55: {  	[sflag:s17] =	ssyncset.done @!p0 $0x0  }
0x56: {  	[sflag:s17] =	ssyncadd.s32 @!p0 $0xFFFFE000  }
0x57: {  	_ =	swait.ge @!p0 [sflag:s17], $0x2000  }
0x58: {  	[sflag:s17] =	ssyncset.done @!p0 $0x0  }
0x59: {  	[sflag:s17] =	ssyncadd.s32 @!p0 $0xFFFFE000  }
0x5a: {  	_ =	swait.ge @!p0 [sflag:s17], $0x2000  }
0x5b: {  	s6 =	sshra.s32 s5, $0x2;
	[sflag:s17] =	ssyncset.done @!p0 $0x0  }
0x5c: {  	[sflag:s17] =	ssyncadd.s32 @!p0 $0xFFFFE000;
	s17 =	sadd.s32 $0x280, s6  }
0x5d: {  	[tilespmem:s29], [sflag:$0x1] =	stream.indirect.gather [hbm4b:s4+s18], $0x40, s17, s18, $0xb8;
	[tilespmem:$0x16800] =	vst v63  }
0x5e: {  	s17 =	sadd.s32 $0x300, s6  }
0x5f: {  	[tilespmem:s30], [sflag:$0x1] =	stream.indirect.gather [hbm4b:s4+s18], $0x40, s17, s18, $0xb8;
	[tilespmem:$0x16800] =	vst v63  }
0x60: {  	s17 =	sadd.s32 $0x380, s6  }
0x61: {  	[tilespmem:s31], [sflag:$0x1] =	stream.indirect.gather [hbm4b:s4+s18], $0x40, s17, s18, $0xb8;
	[tilespmem:$0x16800] =	vst v63  }
0x62: {  	s17 =	sadd.s32 $0x400, s6  }
0x63: {  	[tilespmem:s1], [sflag:$0x1] =	stream.indirect.gather [hbm4b:s4+s18], $0x40, s17, s18, $0xb8;
	[tilespmem:$0x16800] =	vst v63  }
0x64: {  	s17 =	sadd.s32 $0x480, s6  }
0x65: {  	[tilespmem:s0], [sflag:$0x1] =	stream.indirect.gather [hbm4b:s4+s18], $0x40, s17, s18, $0xb8;
	[tilespmem:$0x16800] =	vst v63  }
0x66: {  	_ =	swait.ge [sflag:s28], $0x2000  }
0x67: {  	[sflag:s28] =	ssyncset.done $0x0  }
0x68: {  	[sflag:s28] =	ssyncadd.s32 $0xFFFFE000  }
0x69: {  	_ =	swait.ge [sflag:s28], $0x2000  }
0x6a: {  	[sflag:s28] =	ssyncset.done $0x0  }
0x6b: {  	[sflag:s28] =	ssyncadd.s32 $0xFFFFE000  }
0x6c: {  	_ =	swait.ge [sflag:s28], $0x2000  }
0x6d: {  	[sflag:s28] =	ssyncset.done $0x0  }
0x6e: {  	[sflag:s28] =	ssyncadd.s32 $0xFFFFE000  }
0x6f: {  	_ =	swait.ge [sflag:s28], $0x2000  }
0x70: {  	[sflag:s28] =	ssyncset.done $0x0  }
0x71: {  	[sflag:s28] =	ssyncadd.s32 $0xFFFFE000  }
0x72: {  	_ =	swait.ge [sflag:s28], $0x2000  }
0x73: {  	[sflag:s28] =	ssyncset.done $0x0  }
0x74: {  	s17 =	sadd.s32 s25, s16;
	[sflag:s28] =	ssyncadd.s32 $0xFFFFE000  }
0x75: {  	[hbm4b:s17+s3] =	stream.linear.scatter [tilespmem:s29], [sflag:$0x3], $0x2000, $0x38;
	[tilespmem:$0x16800] =	vst v63  }
0x76: {  	s17 =	sadd.s32 s25, s15  }
0x77: {  	[hbm4b:s17+s3] =	stream.linear.scatter [tilespmem:s30], [sflag:$0x3], $0x2000, $0x38;
	[tilespmem:$0x16800] =	vst v63  }
0x78: {  	s17 =	sadd.s32 s25, s14  }
0x79: {  	[hbm4b:s17+s3] =	stream.linear.scatter [tilespmem:s31], [sflag:$0x3], $0x2000, $0x38;
	[tilespmem:$0x16800] =	vst v63  }
0x7a: {  	s17 =	sadd.s32 s25, s13  }
0x7b: {  	[hbm4b:s17+s3] =	stream.linear.scatter [tilespmem:s1], [sflag:$0x3], $0x2000, $0x38;
	[tilespmem:$0x16800] =	vst v63  }
0x7c: {  	s17 =	sadd.s32 s25, s12  }
0x7d: {  	[hbm4b:s17+s3] =	stream.linear.scatter [tilespmem:s0], [sflag:$0x3], $0x2000, $0x38;
	[tilespmem:$0x16800] =	vst v63  }
0x7e: {  	_ =	swait.ge [sflag:s2], $0x2000  }
0x7f: {  	[sflag:s2] =	ssyncset.done $0x0  }
0x80: {  	[sflag:s2] =	ssyncadd.s32 $0xFFFFE000  }
0x81: {  	_ =	swait.ge [sflag:s2], $0x2000  }
0x82: {  	[sflag:s2] =	ssyncset.done $0x0  }
0x83: {  	[sflag:s2] =	ssyncadd.s32 $0xFFFFE000  }
0x84: {  	_ =	swait.ge [sflag:s2], $0x2000  }
0x85: {  	[sflag:s2] =	ssyncset.done $0x0  }
0x86: {  	[sflag:s2] =	ssyncadd.s32 $0xFFFFE000  }
0x87: {  	p0 =	seq.s32 s5, $0x8C00;
	_ =	swait.ge [sflag:s2], $0x2000  }
.Ltmp2:
0x88: {  	[sflag:s2] =	ssyncset.done $0x0;
	(pc) =	sbr.rel @p0 .LBB2_4-.Ltmp2, $4  }
0x89: {  	[sflag:s2] =	ssyncadd.s32 $0xFFFFE000  }
0x8a: {  	_ =	swait.ge [sflag:s2], $0x2000  }
0x8b: {  	[sflag:s2] =	ssyncset.done $0x0  }
0x8c: {  	[sflag:s2] =	ssyncadd.s32 $0xFFFFE000  }
0x8d: {  	s17 =	sadd.s32 $0x500, s6  }
0x8e: {  	[tilespmem:s19], [sflag:$0x1] =	stream.indirect.gather [hbm4b:s4+s18], $0x40, s17, s18, $0xb8;
	[tilespmem:$0x16800] =	vst v63  }
0x8f: {  	s17 =	sadd.s32 $0x580, s6  }
0x90: {  	[tilespmem:s20], [sflag:$0x1] =	stream.indirect.gather [hbm4b:s4+s18], $0x40, s17, s18, $0xb8;
	[tilespmem:$0x16800] =	vst v63  }
0x91: {  	s17 =	sadd.s32 $0x600, s6  }
0x92: {  	[tilespmem:s22], [sflag:$0x1] =	stream.indirect.gather [hbm4b:s4+s18], $0x40, s17, s18, $0xb8;
	[tilespmem:$0x16800] =	vst v63  }
.Ltmp3:
0x93: {  	_ = 	snop;
	(pc) =	sbr.rel .LBB2_2-.Ltmp3, $4  }
0x94: {  	s17 =	sadd.s32 $0x680, s6  }
0x95: {  	[tilespmem:s24], [sflag:$0x1] =	stream.indirect.gather [hbm4b:s4+s18], $0x40, s17, s18, $0xb8;
	[tilespmem:$0x16800] =	vst v63  }
0x96: {  	s5 =	sadd.s32 $0x1400, s5;
	s25 =	sadd.s32 $0x2800, s25;
	s17 =	sadd.s32 $0x700, s6  }
0x97: {  	[tilespmem:s26], [sflag:$0x1] =	stream.indirect.gather [hbm4b:s4+s18], $0x40, s17, s18, $0xb8;
	[tilespmem:$0x16800] =	vst v63  }
.LBB2_5:
0x98: {  	_ =	sfence.sel $0x180000  }
0x99: {  	[bflag:$0x0] =	sbarrier.arrive $0xFFFF  }
0x9a: {  	_ =	strace $0x90000047  }
0x9b: {  	s0 =	stileid.u32;
	[bflag:$0x2] =	sbarrier.arrive $0xFFFF  }
0x9c: {  	p0 =	sne.s32 s0, $0x0;
	s0 =	rddreg [dreg:$0x3]  }
0x9d: {  	s0 =	sadd.s32 @!p0 $0x100000, s0  }
0x9e: {  	[sflag:s0] =	ssyncadd.tile.s32 @!p0 $0x1;
	_ =	shalt  }
.Lfunc_end2:
_tile_overlayer_lowered:
.L_overlay_start_2:
0x9f: {  	(tag) =	ssettag $0x2  }
0xa0: {  	s0 =	rddreg [dreg:$0x0];
	s2 =	stileid.u32  }
0xa1: {  	s1 =	rddreg [dreg:$0x1];
	p0 =	sne.s32 s2, $0x0  }
0xa2: {  	s3 =	rddreg [dreg:$0x2];
	[bflag:$0x3] =	sbarrier.arrive $0xFFFF;
	s2 =	simm.s32 @!p0 $0x1C04  }
0xa3: {  	[timem:s3], [sflag:s2] =	dma.local @!p0 [hbm:s0], s1  }
0xa4: {  	s0 =	simm.s32 @!p0 $0x4  }
0xa5: {  	_ =	swait.ge @!p0 [sflag:s0], s1  }
0xa6: {  	s1 =	ssub.s32 @!p0 $0x0, s1;
	[sflag:s0] =	ssyncset.done @!p0 $0x0  }
0xa7: {  	[sflag:s0] =	ssyncadd.s32 @!p0 s1  }
0xa8: {  	[bflag:$0x3] =	sbarrier.arrive $0xFFFF  }
0xa9: {  	_ =	shalt  }

// kernel: sparse-core-data-format-call.cloned.1.call-start
scs
called_computation_lowered:
.L_overlay_start_0:
0x0: {  	s2 =	sld [smem:$0x3FD9]  }
0x1: {  	s3 =	sld [smem:$0x3FFE];
	_ =	sdelay $0x1  }
0x2: {  	s1 =	srdreg.scid  }
0x3: {  	s0 =	sand.u32 $0x1, s1  }
0x4: {  	s18 =	sshll.u32 s0, $0xA;
	s2 =	sadd.s32 s3, s2  }
0x5: {  	s2 =	sadd.s32 s2, s18  }
0x6: {  	[smem:$0x3FC6] =	sst s2  }
0x7: {  	_ = 	snop  }
0x8: {  	s2 =	sld [smem:$0x3FD0];
	(tm) =	ssettm $0x1  }
0x9: {  	s19 =	sld [smem:$0x3FFB];
	_ =	sdelay $0x3  }
0xa: {  	_ =	strace s19  }
0xb: {  	s3 =	sld [smem:$0x3FFC];
	_ =	sdelay $0x3  }
0xc: {  	_ =	strace s3  }
0xd: {  	s3 =	sld [smem:$0x3FFD];
	_ =	sdelay $0x3  }
0xe: {  	_ =	strace s3  }
0xf: {  	_ =	strace $0x8FFFFFFF  }
0x10: {  	s20 =	sld [smem:$0x3FDB];
	_ =	sdelay $0x1  }
0x11: {  	s4 =	simm.s32 $_scs_section_size  }
0x12: {  	s5 =	simm.s32 $_size__tile_overlayer_lowered;
	s6 =	simm.s32 $_tile_overlayer_lowered  }
0x13: {  	s23 =	simm.s32 $0x1BFF;
	s22 =	sshll.u32 s6, $0x1;
	s3 =	sadd.s32 s4, s20  }
0x14: {  	s7 =	simm.s32 $0x0;
	s21 =	sshll.u32 s5, $0x1;
	s5 =	sadd.s32 s22, s3  }
0x15: {  	[timem:s7], [sflag:s23] =	dma.local [hbm:s5], s21  }
0x16: {  	_ =	swait.ge [sflag:s23], s21  }
0x17: {  	s4 =	ssub.s32 $0x0, s21;
	[sflag:s23] =	ssyncset.done $0x0  }
0x18: {  	[sflag:s23] =	ssyncadd.s32 s4;
	_ =	sdelay $0x1  }
0x19: {  	s24 =	simm.s32 $0x1B8B  }
0x1a: {  	_ =	swait.ge [sflag:s24], $0x1  }
0x1b: {  	[sflag:s24] =	ssyncset.done $0x0  }
0x1c: {  	s26 =	simm.s32 $0x1B8E;
	s25 =	sld [smem:$0x3FFE];
	[sflag:s24] =	ssyncadd.s32 $0xFFFFFFFF  }
0x1d: {  	s27 =	simm.s32 $execute0_lowered;
	[smem:$0x3FD2] =	sst s26  }
0x1e: {  	s5 =	sshll.u32 s27, $0x1;
	_ =	strace $0x80000049;
	[dreg:$0x1] =	wrdreg $0xFFFFFFFF  }
0x1f: {  	s28 =	simm.s32 $_size_execute0_lowered;
	s3 =	sadd.s32 s3, s5;
	[dreg:$0x0] =	wrdreg $0x0  }
0x20: {  	s5 =	sshll.u32 s28, $0x1;
	[dreg:$0x2] =	wrdreg s3  }
0x21: {  	[dreg:$0x3] =	wrdreg s5  }
0x22: {  	[dreg:$0x4] =	wrdreg $0xC0  }
0x23: {  	_ =	task [dreg:s7], $0x5FFFF  }
0x24: {  	[dreg:$0x1] =	wrdreg $0xFFFFFFFF  }
0x25: {  	[dreg:$0x0] =	wrdreg $0x60  }
0x26: {  	[dreg:$0x2] =	wrdreg s25  }
0x27: {  	[dreg:$0x3] =	wrdreg s2  }
0x28: {  	[dreg:$0x4] =	wrdreg $0x9  }
0x29: {  	_ =	task.clear_ibuf [dreg:s7], $0x5FFFF;
	_ =	strace $0x90000049  }
0x2a: {  	s29 =	simm.s32 $0x9;
	_ =	strace $0x8000004B  }
0x2b: {  	_ =	swait.ge [sflag:s29], $0x1  }
0x2c: {  	[sflag:s29] =	ssyncadd.s32 $0xFFFFFFFF  }
0x2d: {  	_ =	strace $0x9000004B  }
0x2e: {  	_ =	sfence  }
0x2f: {  	s30 =	sld [smem:$0x0];
	_ =	sdelay $0x2  }
0x30: {  	s31 =	sshll.u32 s1, $0xD;
	s1 =	sshrl.u32 s1, $0x2  }
0x31: {  	s3 =	sand.u32 $0x4000, s31;
	s1 =	sadd.s32 s1, s30  }
0x32: {  	s0 =	sor.u32 s3, s0;
	s1 =	sshll.u32 s1, $0x11  }
0x33: {  	s0 =	sor.u32 s1, s0  }
0x34: {  	s0 =	sadd.s32 $0x8F2B, s0  }
0x35: {  	[sflag:s0] =	ssyncadd.remote.s32 $0x1  }
0x36: {  	_ =	sfence.sel $0xFFFF  }
0x37: {  	[dreg:$0x0] =	wrdreg $0xFFFFFFFF;
	(pc) =	sbr.abs _section_cstart, $3  }
0x38: {  	[dreg:$0x1] =	wrdreg $0xFFFFFFFF  }
0x39: {  	_ =	task.clear_ibuf [dreg:s7], $0x2FFFF;
	_ =	strace $0x9FFFFFFF  }
0x3a: {  	(tm) =	ssettm $0x7FFFFFFF  }
0x3b: {  	_ =	shalt  }
tec
execute0_lowered:
.L_overlay_start_1:
0x0: {  	(tag) =	ssettag $0x1  }
0x1: {  	s0 =	srdreg.scid  }
0x2: {  	s1 =	sshll.u32 s0, $0x4  }
0x3: {  	s4 =	rddreg [dreg:$0x0];
	s0 =	stileid.u32;
	s1 =	sand.u32 $0x10, s1  }
0x4: {  	s2 =	rddreg [dreg:$0x1];
	s7 =	simm.s32 $0x1;
	s1 =	sor.u32 s0, s1  }
0x5: {  	s8 =	simm.s32 $0x2;
	s11 =	simm.s32 $0x0;
	s3 =	sshll.u32 s1, $0x7  }
0x6: {  	s10 =	simm.s32 $0x0;
	s4 =	sadd.s32 $0x800, s4;
	s6 =	ssub.s32 $0x50000, s3  }
.Ltmp0:
0x7: {  	s1 =	rddreg [dreg:$0x2];
	s5 =	sand.u32 $0xF80, s6;
	(pc) =	sbr.rel .LBB1_1-.Ltmp0, $4  }
0x8: {  	_ =	strace $0x8000004A;
	s9 =	smov.u32 s3;
	p0 =	sne.s32 s5, $0x0  }
0x9: {  	s6 =	sshrl.u32 s6, $0xC;
	s5 =	simm.s32 $0x1;
	s7 =	simm.s32 @!p0 $0x0  }
0xa: {  	[sflag:s5] =	ssyncpa.u1 $0x0;
	p0 =	por $0x0, $0x0;
	s6 =	sadd.s32 s7, s6  }
0xb: {  	[sflag:s8] =	ssyncpa.u1 $0x0;
	s8 =	simm.s32 $0x280000;
	s7 =	sadd.s32 $0x1, s6  }
.LBB1_4:
0xc: {  	s14 =	sshll.u32 s11, $0x3  }
0xd: {  	s30 =	sand.u32 $0x7F, s11;
	s15 =	sand.u32 $0xFFFFFC00, s14  }
0xe: {  	s11 =	sor.u32 s30, s15  }
0xf: {  	s15 =	smulhi.u32 $0xCCCCCCCD, s11  }
0x10: {  	s14 =	smulhi.u32 $0xCCCCCCCD, s14  }
0x11: {  	s15 =	sshrl.u32 s15, $0x12  }
0x12: {  	s14 =	sshrl.u32 s14, $0x12;
	s15 =	smul.u32 $0x50000, s15  }
0x13: {  	s14 =	sand.u32 $0x3F, s14  }
0x14: {  	s14 =	smul.u32 $0xA000, s14;
	s11 =	ssub.s32 s11, s15  }
0x15: {  	[tilespmem:s13+$0x810 ss:$0x81] =	vst.msk $0xffff, v2;
	s15 =	sand.u32 $0x7, s11  }
0x16: {  	[tilespmem:s13+$0x1020 ss:$0x81] =	vst.msk $0xffff, v0;
	s14 =	sadd.s32 s2, s14;
	s11 =	sshrl.u32 s11, $0x3;
	s15 =	sshll.u32 s15, $0x12  }
0x17: {  	[tilespmem:s13+$0x0 ss:$0x81] =	vst.msk $0xffff, v1;
	s11 =	sadd.s32 s11, s14;
	s31 =	sor.u32 $0x400, s15  }
0x18: {  	[hbm4b:s11+s31] =	stream.strided.scatter [tilespmem:s12], [sflag:$0x2], $0x2000, s8, s31, $0x20;
	[tilespmem:$0x8080] =	vst v63  }
.LBB1_5:
0x19: {  	s13 =	sadd.s32 $0x1000, s9  }
0x1a: {  	p2 =	sgt.s32 s13, $0x4FFFF  }
0x1b: {  	s13 =	smov.u32 @p2 s3;
	p2 =	sne.s32 s10, s7  }
.Ltmp1:
0x1c: {  	p1 =	slt.u32 s10, $0x2;
	(pc) =	sbr.rel @!p2 .LBB1_6-.Ltmp1, $4  }
0x1d: {  	s12 =	simm.s32 @!p1 $0x2  }
0x1e: {  	s14 =	sadd.s32 $0x1, s10;
	_ =	swait.ge @!p1 [sflag:s12], $0x2000  }
0x1f: {  	s11 =	smov.u32 s9;
	p0 =	por !p0, !p0;
	[sflag:s12] =	ssyncset.done @!p1 $0x0  }
0x20: {  	s10 =	smov.u32 s14;
	s9 =	smov.u32 s13;
	[sflag:s12] =	ssyncadd.s32 @!p1 $0xFFFFE000  }
.LBB1_1:
0x21: {  	p1 =	sge.u32 s10, s6  }
0x22: {  	s12 =	sand.u32 @!p1 $0x1FFFFFF, s9  }
0x23: {  	s13 =	smulhi.u32 @!p1 $0xCCCCCD, s12;
	_ =	sdelay $0x1  }
0x24: {  	s13 =	sshrl.u32 @!p1 s13, $0xA  }
0x25: {  	s13 =	smul.u32 @!p1 $0x50000, s13;
	_ =	sdelay $0x1  }
0x26: {  	s31 =	sadd.s32 $0xFFFFFFFF, s10;
	s14 =	sxor.u32 @!p1 $0xFFFFFFFF, s10;
	s12 =	ssub.s32 @!p1 s12, s13  }
0x27: {  	s15 =	simm.s32 @!p1 $0x80;
	s14 =	sshll.u32 @!p1 s14, $0xD;
	s12 =	sshll.u32 @!p1 s12, $0x4  }
0x28: {  	s13 =	sand.u32 @!p1 $0x2000, s14;
	s14 =	simm.s32 @!p1 $0x40;
	s12 =	sadd.s32 @!p1 s4, s12  }
0x29: {  	[tilespmem:s13], [sflag:$0x1] =	stream.strided.gather @!p1 [hbm4b:s12+s14], $0x2000, s15, s14, $0x38;
	[tilespmem:$0x8080] =	vst v63  }
0x2a: {  	p1 =	sge.u32 s31, s6  }
.Ltmp2:
0x2b: {  	_ = 	snop;
	(pc) =	sbr.rel @p1 .LBB1_5-.Ltmp2, $1  }
0x2c: {  	_ =	sdelay $0x3  }
0x2d: {  	s12 =	simm.s32 $0x1  }
0x2e: {  	_ =	swait.ge [sflag:s5], $0x2000;
	s12 =	simm.s32 @!p0 $0x0  }
0x2f: {  	[sflag:s5] =	ssyncset.done $0x0;
	s13 =	sshll.u32 s12, $0xD  }
0x30: {  	[sflag:s5] =	ssyncadd.s32 $0xFFFFE000;
	s16 =	sor.u32 $0x20, s13  }
0x31: {  	s12 =	smul.u32 $0x8100, s12;
	v3 =	vld [tilespmem:s16+$0x10]  }
0x32: {  	s30 =	sand.u32 $0x1, s10;
	v2 =	vld [tilespmem:s16+$0xFFFFFFF0]  }
0x33: {  	s13 =	smul.u32 $0x8100, s30;
	s12 =	sshrl.u32 s12, $0x2;
	v0 =	vld [tilespmem:s16+$0x0]  }
0x34: {  	v1 =	vld [tilespmem:s16+$0xFFFFFFE0];
	s14 =	sor.u32 $0x4000, s12  }
0x35: {  	s31 =	sshrl.u32 s13, $0x2;
	s13 =	sadd.s32 $0x0, s14  }
0x36: {  	s15 =	simm.s32 $0x4;
	s16 =	sadd.s32 $0x40, s16;
	s12 =	sor.u32 $0x4000, s31;
	[tilespmem:s13+$0x1830 ss:$0x81] =	vst.msk $0xffff, v3  }
.LBB1_3:
0x37: {  	v3 =	vld [tilespmem:s16+$0x10];
	p1 =	sne.s32 s15, $0x1FC;
	[tilespmem:s13+$0x810 ss:$0x81] =	vst.msk $0xffff, v2;
	s17 =	smov.u32 s15;
	s15 =	sadd.s32 $0x4, s15  }
.Ltmp3:
0x38: {  	v2 =	vld [tilespmem:s16+$0xFFFFFFF0];
	[tilespmem:s13+$0x1020 ss:$0x81] =	vst.msk $0xffff, v0;
	(pc) =	sbr.rel @p1 .LBB1_3-.Ltmp3, $4  }
0x39: {  	v0 =	vld [tilespmem:s16+$0x0];
	[tilespmem:s13+$0x0 ss:$0x81] =	vst.msk $0xffff, v1  }
0x3a: {  	s13 =	sshra.s32 s17, $0x2;
	v1 =	vld [tilespmem:s16+$0xFFFFFFE0]  }
0x3b: {  	s13 =	sadd.s32 s13, s14  }
0x3c: {  	s16 =	sadd.s32 $0x40, s16;
	[tilespmem:s13+$0x1830 ss:$0x81] =	vst.msk $0xffff, v3  }
.Ltmp4:
0x3d: {  	_ = 	snop;
	(pc) =	sbr.rel .LBB1_4-.Ltmp4, $1  }
0x3e: {  	_ =	sdelay $0x3  }
.LBB1_6:
0x3f: {  	_ =	sfence.sel $0x180000  }
0x40: {  	s2 =	simm.s32 $0x1;
	[bflag:$0x0] =	sbarrier.arrive $0xFFFF  }
0x41: {  	s31 =	simm.s32 $0x2;
	[sflag:s2] =	ssyncpa.u1 $0x1  }
0x42: {  	[sflag:s31] =	ssyncpa.u1 $0x1  }
0x43: {  	p0 =	sne.s32 s0, $0x0;
	_ =	strace $0x9000004A  }
0x44: {  	s0 =	sadd.s32 @!p0 $0x100000, s1;
	[bflag:$0x2] =	sbarrier.arrive $0xFFFF  }
0x45: {  	[sflag:s0] =	ssyncadd.tile.s32 @!p0 $0x1;
	_ =	shalt  }
.Lfunc_end1:
_tile_overlayer_lowered:
.L_overlay_start_2:
0x46: {  	(tag) =	ssettag $0x2  }
0x47: {  	s0 =	rddreg [dreg:$0x0];
	s2 =	stileid.u32  }
0x48: {  	s1 =	rddreg [dreg:$0x1];
	p0 =	sne.s32 s2, $0x0  }
0x49: {  	s3 =	rddreg [dreg:$0x2];
	[bflag:$0x3] =	sbarrier.arrive $0xFFFF;
	s2 =	simm.s32 @!p0 $0x1C01  }
0x4a: {  	[timem:s3], [sflag:s2] =	dma.local @!p0 [hbm:s0], s1  }
0x4b: {  	s0 =	simm.s32 @!p0 $0x1  }
0x4c: {  	_ =	swait.ge @!p0 [sflag:s0], s1  }
0x4d: {  	s1 =	ssub.s32 @!p0 $0x0, s1;
	[sflag:s0] =	ssyncset.done @!p0 $0x0  }
0x4e: {  	[sflag:s0] =	ssyncadd.s32 @!p0 s1  }
0x4f: {  	[bflag:$0x3] =	sbarrier.arrive $0xFFFF  }
0x50: {  	_ =	shalt  }

</sc_bundles>
